<compile_context>
chip_gen: v7x
topology: tpu7x:2x2x1
jax: 0.10.2.dev20260603
libtpu: 0.0.44.dev20260713+nightly
codegen_flags: <defaults>
</compile_context>

<pallas_src>
import functools

import jax
import jax.numpy as jnp
from jax import lax
from jax.experimental import pallas as pl
from jax.experimental.pallas import tpu as pltpu
from jax.experimental.pallas import tpu_sc as plsc

R = 512
N = 100000
B = 4096
L = 16
NC = 2
NS = 16
NW = NC * NS
TCR = 32
TRPW = (R - TCR) // NW

_HBM = pl.BlockSpec(memory_space=pltpu.MemorySpace.HBM)

CH = 128000
NCHUNKS = (TCR * N) // CH
SLOTS = 8
LAG = 4


def _copy_body(t_ref, o_ref, buf, sem_in, sem_out):
    def _in(i, p):
        return pltpu.make_async_copy(
            t_ref.at[pl.ds(i * CH, CH)], buf.at[p], sem_in.at[p])

    def _out(i, p):
        return pltpu.make_async_copy(
            buf.at[p], o_ref.at[pl.ds(i * CH, CH)], sem_out.at[p])

    for i in range(NCHUNKS + LAG):
        if i < NCHUNKS:
            p = i % SLOTS
            if i >= SLOTS:
                _out(i - SLOTS, p).wait()
            _in(i, p).start()
        j = i - LAG
        if 0 <= j < NCHUNKS:
            pj = j % SLOTS
            _in(j, pj).wait()
            _out(j, pj).start()
    for j in range(max(NCHUNKS - SLOTS, 0), NCHUNKS):
        _out(j, j % SLOTS).wait()


_mesh = plsc.VectorSubcoreMesh(
    core_axis_name="c", subcore_axis_name="s", num_cores=NC, num_subcores=NS)


@functools.partial(
    pl.kernel,
    mesh=_mesh,
    compiler_params=pltpu.CompilerParams(needs_layout_passes=False),
    scratch_types=[
        pltpu.VMEM((B,), jnp.int32),
        pltpu.VMEM((N,), jnp.int32),
        pltpu.VMEM((B,), jnp.int32),
        pltpu.VMEM((B,), jnp.int32),
        pltpu.SemaphoreType.DMA,
        pltpu.SemaphoreType.DMA,
    ],
)
def _sc_scatter(idx_hbm, t_hbm, v_hbm, out_hbm,
                idx_v, m_v, winj_v, vrow_v, sem_i, sem_v):
    wid = lax.axis_index("s") * NC + lax.axis_index("c")
    pltpu.sync_copy(idx_hbm, idx_v)
    lane = lax.iota(jnp.int32, L)

    def _mb(k, _):
        idxc = idx_v[pl.ds(k * L, L)]
        jvec = k * L + lane
        plsc.store_scatter(m_v, [idxc], jvec)
        w0 = plsc.load_gather(m_v, [idxc])

        @pl.when(plsc.all_reduce_population_count(w0 != jvec)[0] > 0)
        def _():
            def _fix(i, __):
                w = plsc.load_gather(m_v, [idxc])
                plsc.store_scatter(m_v, [idxc], jvec, mask=jvec > w)
                return 0

            lax.fori_loop(0, 15, _fix, 0)

        return 0

    lax.fori_loop(0, B // L, _mb, 0)

    def _wj(k4, _):
        for u in range(4):
            k = k4 * 4 + u
            idxc = idx_v[pl.ds(k * L, L)]
            winj_v[pl.ds(k * L, L)] = plsc.load_gather(m_v, [idxc])
        return 0

    lax.fori_loop(0, B // (4 * L), _wj, 0)

    def _do_row(rg, src_off, src_ref):
        pltpu.make_async_copy(src_ref.at[pl.ds(src_off, N)],
                              m_v, sem_i).start()
        pltpu.sync_copy(v_hbm.at[pl.ds(rg * B, B)], vrow_v)
        pltpu.make_async_copy(src_ref.at[pl.ds(src_off, N)],
                              m_v, sem_i).wait()

        def _patch(k4, _):
            for u in range(4):
                s = (k4 * 4 + u) * L
                idxc = idx_v[pl.ds(s, L)]
                w = winj_v[pl.ds(s, L)]
                vals = plsc.load_gather(vrow_v, [w])
                plsc.store_scatter(m_v, [idxc], vals)
            return 0

        lax.fori_loop(0, B // (4 * L), _patch, 0)
        pltpu.sync_copy(m_v, out_hbm.at[pl.ds(rg * N, N)])

    def _trow(r, _):
        rg = TCR + wid * TRPW + r
        _do_row(rg, rg * N, t_hbm)
        return 0

    lax.fori_loop(0, TRPW, _trow, 0)

    _do_row(wid, wid * N, out_hbm)


def kernel(t, idx, v):
    ti = lax.bitcast_convert_type(t, jnp.int32).reshape(R * N)
    vi = lax.bitcast_convert_type(v, jnp.int32).reshape(R * B)

    out0 = pl.pallas_call(
        _copy_body,
        out_shape=jax.ShapeDtypeStruct((R * N,), jnp.int32),
        in_specs=[_HBM],
        out_specs=_HBM,
        scratch_shapes=[
            pltpu.VMEM((SLOTS, CH), jnp.int32),
            pltpu.SemaphoreType.DMA((SLOTS,)),
            pltpu.SemaphoreType.DMA((SLOTS,)),
        ],
    )(ti)

    ref = jax.new_ref(out0)
    _sc_scatter(idx, ti, vi, ref)
    outi = ref[...].reshape(t.shape)
    return lax.bitcast_convert_type(outi, jnp.float32)

# --- scband reference (transcript-rebuilt; emitter-appended) ---
"""Pipeline reference for scband-index-model4-7937099563144 (READ-ONLY COPY).

The authoritative reference and input builder live on the scoring server;
editing this copy changes nothing except your own understanding.
"""

import jax, jax.numpy as jnp
import numpy as np


def setup_inputs(seed: int = 0) -> dict:
    key = jax.random.key(seed)
    k1, k2, k3 = jax.random.split(key, 3)
    t = jax.random.normal(k1, (8, 64, 100000), dtype=jnp.float32)
    idx = jax.random.randint(k2, (4096,), 0, 100000, dtype=jnp.int64 if jax.config.jax_enable_x64 else jnp.int32).astype(jnp.int32)
    v = jax.random.normal(k3, (8, 64, 4096), dtype=jnp.float32)
    return {"t": t, "idx": idx, "v": v}


def reference(t, idx, v):
    # faithful to: t += 0; t[:, :, idx] = v; return t
    t = t + 0
    out = t.at[:, :, idx].set(v)
    return out

if __name__ == "__main__":
    import jax
    _d = setup_inputs()
    print(jax.jit(kernel)(*tuple(_d.values())))

</pallas_src>

<mosaic_0001>
#map = affine_map<(d0, d1) -> (0)>
module attributes {stable_mosaic.version = 14 : i64} {
  func.func @new_body(%arg0: i32, %arg1: i32, %arg2: memref<4096xi32, #tpu.memory_space<hbm>>, %arg3: memref<51200000xi32, #tpu.memory_space<hbm>>, %arg4: memref<2097152xi32, #tpu.memory_space<hbm>>, %arg5: memref<51200000xi32, #tpu.memory_space<hbm>>, %arg6: memref<51200000xi32, #tpu.memory_space<hbm>>, %arg7: memref<4096xi32, #tpu.memory_space<vmem>>, %arg8: memref<100000xi32, #tpu.memory_space<vmem>>, %arg9: memref<4096xi32, #tpu.memory_space<vmem>>, %arg10: memref<4096xi32, #tpu.memory_space<vmem>>, %arg11: memref<!tpu.dma_semaphore, #tpu.memory_space<semaphore_mem>>, %arg12: memref<!tpu.dma_semaphore, #tpu.memory_space<semaphore_mem>>) attributes {dimension_semantics = [#tpu.dimension_semantics<core_parallel>, #tpu.dimension_semantics<subcore_parallel>], iteration_bounds = array<i64: 2, 16>, scalar_prefetch = 0 : i64, scratch_operands = 6 : i64, tpu.core_type = #tpu.core_type<sc_vector_subcore>, window_params = [{transform_indices = #map}, {transform_indices = #map}, {transform_indices = #map}, {transform_indices = #map}, {transform_indices = #map}]} {
    %mul3A = arith.constant 2 : i32
    %mul3A_0 = arith.muli %arg1, %mul3A : i32
    %add3A = arith.addi %mul3A_0, %arg0 : i32
    "tpu.region"() ({
      %run_scoped3A = tpu.sem_alloc : memref<!tpu.dma_semaphore, #tpu.memory_space<semaphore_mem>>
      tpu.enqueue_dma source(%arg2 : memref<4096xi32, #tpu.memory_space<hbm>>) target(%arg7 : memref<4096xi32, #tpu.memory_space<vmem>>) target_semaphore(%run_scoped3A : memref<!tpu.dma_semaphore, #tpu.memory_space<semaphore_mem>>)
      tpu.wait_dma2 semaphore(%run_scoped3A : memref<!tpu.dma_semaphore, #tpu.memory_space<semaphore_mem>>) src(%arg2 : memref<4096xi32, #tpu.memory_space<hbm>>) dst(%arg7 : memref<4096xi32, #tpu.memory_space<vmem>>)
      tpu.yield
    }) : () -> ()
    %iota3A = tpu.iota {dimensions = array<i32: 0>} : vector<16xi32>
    %scan3A = arith.constant 0 : i32
    %scan3A_1 = arith.constant 0 : i32
    %scan3A_2 = arith.constant 256 : i32
    %scan3A_3 = arith.addi %scan3A_1, %scan3A_2 : i32
    %scan3A_4 = arith.constant 1 : i32
    %scan3A_5 = scf.for %scan3A_36 = %scan3A_1 to %scan3A_3 step %scan3A_4 iter_args(%scan3A_37 = %scan3A) -> (i32)  : i32 {
      %mul3A_38 = arith.constant 16 : i32
      %mul3A_39 = arith.muli %scan3A_36, %mul3A_38 : i32
      %get3A = arith.index_cast %mul3A_39 : i32 to index
      %get3A_40 = tpu.vector_load %arg7[%get3A] {strides = array<i32>} : memref<4096xi32, #tpu.memory_space<vmem>>, vector<16xi32>,
      %mul3A_41 = arith.constant 16 : i32
      %mul3A_42 = arith.muli %scan3A_36, %mul3A_41 : i32
      %add3A_43 = vector.broadcast %mul3A_42 : i32 to vector<16xi32>
      %add3A_44 = arith.addi %add3A_43, %iota3A : vector<16xi32>
      tpu.vector_store_idx %arg8[%get3A_40], %add3A_44 : memref<100000xi32, #tpu.memory_space<vmem>>[vector<16xi32>], vector<16xi32>,
      %gather3A = tpu.vector_load_idx %arg8[%get3A_40] : memref<100000xi32, #tpu.memory_space<vmem>>[vector<16xi32>], vector<16xi32>,
      %ne3A = arith.cmpi ne, %gather3A, %add3A_44 : vector<16xi32>
      %all_reduce_population_count3A = tpu.all_reduce %ne3A {dim = 0 : i64, kind = #tpu.reduction_kind<sum>} : vector<16xi1> -> vector<16xi32>
      %slice3A = vector.extract_strided_slice %all_reduce_population_count3A {offsets = [0], sizes = [1], strides = [1]} : vector<16xi32> to vector<1xi32>
      %squeeze3A = vector.extract %slice3A[0] : i32 from vector<1xi32>
      %gt3A = arith.constant 0 : i32
      %gt3A_45 = arith.cmpi sgt, %squeeze3A, %gt3A : i32
      %convert_element_type3A = arith.extui %gt3A_45 : i1 to i32
      %cond3A = arith.constant 0 : i32
      %cond3A_46 = arith.cmpi ne, %convert_element_type3A, %cond3A : i32
      scf.if %cond3A_46 {
        %scan3A_48 = arith.constant 0 : i32
        %scan3A_49 = arith.constant 0 : i32
        %scan3A_50 = arith.constant 15 : i32
        %scan3A_51 = arith.addi %scan3A_49, %scan3A_50 : i32
        %scan3A_52 = arith.constant 1 : i32
        %scan3A_53 = scf.for %scan3A_55 = %scan3A_49 to %scan3A_51 step %scan3A_52 iter_args(%scan3A_56 = %scan3A_48) -> (i32)  : i32 {
          %gather3A_57 = tpu.vector_load_idx %arg8[%get3A_40] : memref<100000xi32, #tpu.memory_space<vmem>>[vector<16xi32>], vector<16xi32>,
          %gt3A_58 = arith.cmpi sgt, %add3A_44, %gather3A_57 : vector<16xi32>
          tpu.vector_store_idx %arg8[%get3A_40], %add3A_44 masked %gt3A_58 : memref<100000xi32, #tpu.memory_space<vmem>>[vector<16xi32>], vector<16xi32>, vector<16xi1>
          %scan3A_59 = arith.constant 0 : i32
          scf.yield %scan3A_59 : i32
        }
        %scan3A_54 = arith.constant 15 : i32
      } else {
      }
      %scan3A_47 = arith.constant 0 : i32
      scf.yield %scan3A_47 : i32
    }
    %scan3A_6 = arith.constant 256 : i32
    %scan3A_7 = arith.constant 0 : i32
    %scan3A_8 = arith.constant 0 : i32
    %scan3A_9 = arith.constant 64 : i32
    %scan3A_10 = arith.addi %scan3A_8, %scan3A_9 : i32
    %scan3A_11 = arith.constant 1 : i32
    %scan3A_12 = scf.for %scan3A_36 = %scan3A_8 to %scan3A_10 step %scan3A_11 iter_args(%scan3A_37 = %scan3A_7) -> (i32)  : i32 {
      %mul3A_38 = arith.constant 4 : i32
      %mul3A_39 = arith.muli %scan3A_36, %mul3A_38 : i32
      %add3A_40 = arith.constant 0 : i32
      %add3A_41 = arith.addi %mul3A_39, %add3A_40 : i32
      %mul3A_42 = arith.constant 16 : i32
      %mul3A_43 = arith.muli %add3A_41, %mul3A_42 : i32
      %get3A = arith.index_cast %mul3A_43 : i32 to index
      %get3A_44 = tpu.vector_load %arg7[%get3A] {strides = array<i32>} : memref<4096xi32, #tpu.memory_space<vmem>>, vector<16xi32>,
      %gather3A = tpu.vector_load_idx %arg8[%get3A_44] : memref<100000xi32, #tpu.memory_space<vmem>>[vector<16xi32>], vector<16xi32>,
      %mul3A_45 = arith.constant 16 : i32
      %mul3A_46 = arith.muli %add3A_41, %mul3A_45 : i32
      %swap3A = arith.index_cast %mul3A_46 : i32 to index
      %swap3A_47 = tpu.vector_load %arg9[%swap3A] {strides = array<i32>} : memref<4096xi32, #tpu.memory_space<vmem>>, vector<16xi32>,
      tpu.vector_store %arg9[%swap3A], %gather3A {strides = array<i32>} : memref<4096xi32, #tpu.memory_space<vmem>>, vector<16xi32>,
      %mul3A_48 = arith.constant 4 : i32
      %mul3A_49 = arith.muli %scan3A_36, %mul3A_48 : i32
      %add3A_50 = arith.constant 1 : i32
      %add3A_51 = arith.addi %mul3A_49, %add3A_50 : i32
      %mul3A_52 = arith.constant 16 : i32
      %mul3A_53 = arith.muli %add3A_51, %mul3A_52 : i32
      %get3A_54 = arith.index_cast %mul3A_53 : i32 to index
      %get3A_55 = tpu.vector_load %arg7[%get3A_54] {strides = array<i32>} : memref<4096xi32, #tpu.memory_space<vmem>>, vector<16xi32>,
      %gather3A_56 = tpu.vector_load_idx %arg8[%get3A_55] : memref<100000xi32, #tpu.memory_space<vmem>>[vector<16xi32>], vector<16xi32>,
      %mul3A_57 = arith.constant 16 : i32
      %mul3A_58 = arith.muli %add3A_51, %mul3A_57 : i32
      %swap3A_59 = arith.index_cast %mul3A_58 : i32 to index
      %swap3A_60 = tpu.vector_load %arg9[%swap3A_59] {strides = array<i32>} : memref<4096xi32, #tpu.memory_space<vmem>>, vector<16xi32>,
      tpu.vector_store %arg9[%swap3A_59], %gather3A_56 {strides = array<i32>} : memref<4096xi32, #tpu.memory_space<vmem>>, vector<16xi32>,
      %mul3A_61 = arith.constant 4 : i32
      %mul3A_62 = arith.muli %scan3A_36, %mul3A_61 : i32
      %add3A_63 = arith.constant 2 : i32
      %add3A_64 = arith.addi %mul3A_62, %add3A_63 : i32
      %mul3A_65 = arith.constant 16 : i32
      %mul3A_66 = arith.muli %add3A_64, %mul3A_65 : i32
      %get3A_67 = arith.index_cast %mul3A_66 : i32 to index
      %get3A_68 = tpu.vector_load %arg7[%get3A_67] {strides = array<i32>} : memref<4096xi32, #tpu.memory_space<vmem>>, vector<16xi32>,
      %gather3A_69 = tpu.vector_load_idx %arg8[%get3A_68] : memref<100000xi32, #tpu.memory_space<vmem>>[vector<16xi32>], vector<16xi32>,
      %mul3A_70 = arith.constant 16 : i32
      %mul3A_71 = arith.muli %add3A_64, %mul3A_70 : i32
      %swap3A_72 = arith.index_cast %mul3A_71 : i32 to index
      %swap3A_73 = tpu.vector_load %arg9[%swap3A_72] {strides = array<i32>} : memref<4096xi32, #tpu.memory_space<vmem>>, vector<16xi32>,
      tpu.vector_store %arg9[%swap3A_72], %gather3A_69 {strides = array<i32>} : memref<4096xi32, #tpu.memory_space<vmem>>, vector<16xi32>,
      %mul3A_74 = arith.constant 4 : i32
      %mul3A_75 = arith.muli %scan3A_36, %mul3A_74 : i32
      %add3A_76 = arith.constant 3 : i32
      %add3A_77 = arith.addi %mul3A_75, %add3A_76 : i32
      %mul3A_78 = arith.constant 16 : i32
      %mul3A_79 = arith.muli %add3A_77, %mul3A_78 : i32
      %get3A_80 = arith.index_cast %mul3A_79 : i32 to index
      %get3A_81 = tpu.vector_load %arg7[%get3A_80] {strides = array<i32>} : memref<4096xi32, #tpu.memory_space<vmem>>, vector<16xi32>,
      %gather3A_82 = tpu.vector_load_idx %arg8[%get3A_81] : memref<100000xi32, #tpu.memory_space<vmem>>[vector<16xi32>], vector<16xi32>,
      %mul3A_83 = arith.constant 16 : i32
      %mul3A_84 = arith.muli %add3A_77, %mul3A_83 : i32
      %swap3A_85 = arith.index_cast %mul3A_84 : i32 to index
      %swap3A_86 = tpu.vector_load %arg9[%swap3A_85] {strides = array<i32>} : memref<4096xi32, #tpu.memory_space<vmem>>, vector<16xi32>,
      tpu.vector_store %arg9[%swap3A_85], %gather3A_82 {strides = array<i32>} : memref<4096xi32, #tpu.memory_space<vmem>>, vector<16xi32>,
      %scan3A_87 = arith.constant 0 : i32
      scf.yield %scan3A_87 : i32
    }
    %scan3A_13 = arith.constant 64 : i32
    %scan3A_14 = arith.constant 0 : i32
    %scan3A_15 = arith.constant 0 : i32
    %scan3A_16 = arith.constant 15 : i32
    %scan3A_17 = arith.addi %scan3A_15, %scan3A_16 : i32
    %scan3A_18 = arith.constant 1 : i32
    %scan3A_19 = scf.for %scan3A_36 = %scan3A_15 to %scan3A_17 step %scan3A_18 iter_args(%scan3A_37 = %scan3A_14) -> (i32)  : i32 {
      %mul3A_38 = arith.constant 15 : i32
      %mul3A_39 = arith.muli %add3A, %mul3A_38 : i32
      %add3A_40 = arith.constant 32 : i32
      %add3A_41 = arith.addi %add3A_40, %mul3A_39 : i32
      %add3A_42 = arith.addi %add3A_41, %scan3A_36 : i32
      %mul3A_43 = arith.constant 100000 : i32
      %mul3A_44 = arith.muli %add3A_42, %mul3A_43 : i32
      %dma_start3A_45 = tpu.memref_slice %arg3[%mul3A_44] : memref<51200000xi32, #tpu.memory_space<hbm>> -> memref<100000xi32, #tpu.memory_space<hbm>>
      %dma_start3A_46 = tpu.memref_slice %arg3[%mul3A_44] : memref<51200000xi32, #tpu.memory_space<hbm>> -> memref<100000xi32, #tpu.memory_space<hbm>>
      tpu.enqueue_dma source(%dma_start3A_46 : memref<100000xi32, #tpu.memory_space<hbm>>) target(%arg8 : memref<100000xi32, #tpu.memory_space<vmem>>) target_semaphore(%arg11 : memref<!tpu.dma_semaphore, #tpu.memory_space<semaphore_mem>>)
      %mul3A_47 = arith.constant 4096 : i32
      %mul3A_48 = arith.muli %add3A_42, %mul3A_47 : i32
      "tpu.region"() ({
        %run_scoped3A = tpu.sem_alloc : memref<!tpu.dma_semaphore, #tpu.memory_space<semaphore_mem>>
        %dma_start3A_61 = tpu.memref_slice %arg4[%mul3A_48] : memref<2097152xi32, #tpu.memory_space<hbm>> -> memref<4096xi32, #tpu.memory_space<hbm>>
        %dma_start3A_62 = tpu.memref_slice %arg4[%mul3A_48] : memref<2097152xi32, #tpu.memory_space<hbm>> -> memref<4096xi32, #tpu.memory_space<hbm>>
        tpu.enqueue_dma source(%dma_start3A_62 : memref<4096xi32, #tpu.memory_space<hbm>>) target(%arg10 : memref<4096xi32, #tpu.memory_space<vmem>>) target_semaphore(%run_scoped3A : memref<!tpu.dma_semaphore, #tpu.memory_space<semaphore_mem>>)
        %dma_wait3A_63 = tpu.memref_slice %arg4[%mul3A_48] : memref<2097152xi32, #tpu.memory_space<hbm>> -> memref<4096xi32, #tpu.memory_space<hbm>>
        %dma_wait3A_64 = tpu.memref_slice %arg4[%mul3A_48] : memref<2097152xi32, #tpu.memory_space<hbm>> -> memref<4096xi32, #tpu.memory_space<hbm>>
        tpu.wait_dma2 semaphore(%run_scoped3A : memref<!tpu.dma_semaphore, #tpu.memory_space<semaphore_mem>>) src(%dma_wait3A_64 : memref<4096xi32, #tpu.memory_space<hbm>>) dst(%arg10 : memref<4096xi32, #tpu.memory_space<vmem>>)
        tpu.yield
      }) : () -> ()
      %dma_wait3A_49 = tpu.memref_slice %arg3[%mul3A_44] : memref<51200000xi32, #tpu.memory_space<hbm>> -> memref<100000xi32, #tpu.memory_space<hbm>>
      %dma_wait3A_50 = tpu.memref_slice %arg3[%mul3A_44] : memref<51200000xi32, #tpu.memory_space<hbm>> -> memref<100000xi32, #tpu.memory_space<hbm>>
      tpu.wait_dma2 semaphore(%arg11 : memref<!tpu.dma_semaphore, #tpu.memory_space<semaphore_mem>>) src(%dma_wait3A_50 : memref<100000xi32, #tpu.memory_space<hbm>>) dst(%arg8 : memref<100000xi32, #tpu.memory_space<vmem>>)
      %scan3A_51 = arith.constant 0 : i32
      %scan3A_52 = arith.constant 0 : i32
      %scan3A_53 = arith.constant 64 : i32
      %scan3A_54 = arith.addi %scan3A_52, %scan3A_53 : i32
      %scan3A_55 = arith.constant 1 : i32
      %scan3A_56 = scf.for %scan3A_61 = %scan3A_52 to %scan3A_54 step %scan3A_55 iter_args(%scan3A_62 = %scan3A_51) -> (i32)  : i32 {
        %mul3A_63 = arith.constant 4 : i32
        %mul3A_64 = arith.muli %scan3A_61, %mul3A_63 : i32
        %add3A_65 = arith.constant 0 : i32
        %add3A_66 = arith.addi %mul3A_64, %add3A_65 : i32
        %mul3A_67 = arith.constant 16 : i32
        %mul3A_68 = arith.muli %add3A_66, %mul3A_67 : i32
        %get3A = arith.index_cast %mul3A_68 : i32 to index
        %get3A_69 = tpu.vector_load %arg7[%get3A] {strides = array<i32>} : memref<4096xi32, #tpu.memory_space<vmem>>, vector<16xi32>,
        %get3A_70 = arith.index_cast %mul3A_68 : i32 to index
        %get3A_71 = tpu.vector_load %arg9[%get3A_70] {strides = array<i32>} : memref<4096xi32, #tpu.memory_space<vmem>>, vector<16xi32>,
        %gather3A = tpu.vector_load_idx %arg10[%get3A_71] : memref<4096xi32, #tpu.memory_space<vmem>>[vector<16xi32>], vector<16xi32>,
        tpu.vector_store_idx %arg8[%get3A_69], %gather3A : memref<100000xi32, #tpu.memory_space<vmem>>[vector<16xi32>], vector<16xi32>,
        %mul3A_72 = arith.constant 4 : i32
        %mul3A_73 = arith.muli %scan3A_61, %mul3A_72 : i32
        %add3A_74 = arith.constant 1 : i32
        %add3A_75 = arith.addi %mul3A_73, %add3A_74 : i32
        %mul3A_76 = arith.constant 16 : i32
        %mul3A_77 = arith.muli %add3A_75, %mul3A_76 : i32
        %get3A_78 = arith.index_cast %mul3A_77 : i32 to index
        %get3A_79 = tpu.vector_load %arg7[%get3A_78] {strides = array<i32>} : memref<4096xi32, #tpu.memory_space<vmem>>, vector<16xi32>,
        %get3A_80 = arith.index_cast %mul3A_77 : i32 to index
        %get3A_81 = tpu.vector_load %arg9[%get3A_80] {strides = array<i32>} : memref<4096xi32, #tpu.memory_space<vmem>>, vector<16xi32>,
        %gather3A_82 = tpu.vector_load_idx %arg10[%get3A_81] : memref<4096xi32, #tpu.memory_space<vmem>>[vector<16xi32>], vector<16xi32>,
        tpu.vector_store_idx %arg8[%get3A_79], %gather3A_82 : memref<100000xi32, #tpu.memory_space<vmem>>[vector<16xi32>], vector<16xi32>,
        %mul3A_83 = arith.constant 4 : i32
        %mul3A_84 = arith.muli %scan3A_61, %mul3A_83 : i32
        %add3A_85 = arith.constant 2 : i32
        %add3A_86 = arith.addi %mul3A_84, %add3A_85 : i32
        %mul3A_87 = arith.constant 16 : i32
        %mul3A_88 = arith.muli %add3A_86, %mul3A_87 : i32
        %get3A_89 = arith.index_cast %mul3A_88 : i32 to index
        %get3A_90 = tpu.vector_load %arg7[%get3A_89] {strides = array<i32>} : memref<4096xi32, #tpu.memory_space<vmem>>, vector<16xi32>,
        %get3A_91 = arith.index_cast %mul3A_88 : i32 to index
        %get3A_92 = tpu.vector_load %arg9[%get3A_91] {strides = array<i32>} : memref<4096xi32, #tpu.memory_space<vmem>>, vector<16xi32>,
        %gather3A_93 = tpu.vector_load_idx %arg10[%get3A_92] : memref<4096xi32, #tpu.memory_space<vmem>>[vector<16xi32>], vector<16xi32>,
        tpu.vector_store_idx %arg8[%get3A_90], %gather3A_93 : memref<100000xi32, #tpu.memory_space<vmem>>[vector<16xi32>], vector<16xi32>,
        %mul3A_94 = arith.constant 4 : i32
        %mul3A_95 = arith.muli %scan3A_61, %mul3A_94 : i32
        %add3A_96 = arith.constant 3 : i32
        %add3A_97 = arith.addi %mul3A_95, %add3A_96 : i32
        %mul3A_98 = arith.constant 16 : i32
        %mul3A_99 = arith.muli %add3A_97, %mul3A_98 : i32
        %get3A_100 = arith.index_cast %mul3A_99 : i32 to index
        %get3A_101 = tpu.vector_load %arg7[%get3A_100] {strides = array<i32>} : memref<4096xi32, #tpu.memory_space<vmem>>, vector<16xi32>,
        %get3A_102 = arith.index_cast %mul3A_99 : i32 to index
        %get3A_103 = tpu.vector_load %arg9[%get3A_102] {strides = array<i32>} : memref<4096xi32, #tpu.memory_space<vmem>>, vector<16xi32>,
        %gather3A_104 = tpu.vector_load_idx %arg10[%get3A_103] : memref<4096xi32, #tpu.memory_space<vmem>>[vector<16xi32>], vector<16xi32>,
        tpu.vector_store_idx %arg8[%get3A_101], %gather3A_104 : memref<100000xi32, #tpu.memory_space<vmem>>[vector<16xi32>], vector<16xi32>,
        %scan3A_105 = arith.constant 0 : i32
        scf.yield %scan3A_105 : i32
      }
      %scan3A_57 = arith.constant 64 : i32
      %mul3A_58 = arith.constant 100000 : i32
      %mul3A_59 = arith.muli %add3A_42, %mul3A_58 : i32
      "tpu.region"() ({
        %run_scoped3A = tpu.sem_alloc : memref<!tpu.dma_semaphore, #tpu.memory_space<semaphore_mem>>
        %dma_start3A_61 = tpu.memref_slice %arg5[%mul3A_59] : memref<51200000xi32, #tpu.memory_space<hbm>> -> memref<100000xi32, #tpu.memory_space<hbm>>
        %dma_start3A_62 = tpu.memref_slice %arg5[%mul3A_59] : memref<51200000xi32, #tpu.memory_space<hbm>> -> memref<100000xi32, #tpu.memory_space<hbm>>
        tpu.enqueue_dma source(%arg8 : memref<100000xi32, #tpu.memory_space<vmem>>) target(%dma_start3A_62 : memref<100000xi32, #tpu.memory_space<hbm>>) target_semaphore(%run_scoped3A : memref<!tpu.dma_semaphore, #tpu.memory_space<semaphore_mem>>)
        %dma_wait3A_63 = tpu.memref_slice %arg5[%mul3A_59] : memref<51200000xi32, #tpu.memory_space<hbm>> -> memref<100000xi32, #tpu.memory_space<hbm>>
        %dma_wait3A_64 = tpu.memref_slice %arg5[%mul3A_59] : memref<51200000xi32, #tpu.memory_space<hbm>> -> memref<100000xi32, #tpu.memory_space<hbm>>
        tpu.wait_dma2 semaphore(%run_scoped3A : memref<!tpu.dma_semaphore, #tpu.memory_space<semaphore_mem>>) src(%arg8 : memref<100000xi32, #tpu.memory_space<vmem>>) dst(%dma_wait3A_64 : memref<100000xi32, #tpu.memory_space<hbm>>)
        tpu.yield
      }) : () -> ()
      %scan3A_60 = arith.constant 0 : i32
      scf.yield %scan3A_60 : i32
    }
    %scan3A_20 = arith.constant 15 : i32
    %mul3A_21 = arith.constant 100000 : i32
    %mul3A_22 = arith.muli %add3A, %mul3A_21 : i32
    %dma_start3A = tpu.memref_slice %arg5[%mul3A_22] : memref<51200000xi32, #tpu.memory_space<hbm>> -> memref<100000xi32, #tpu.memory_space<hbm>>
    %dma_start3A_23 = tpu.memref_slice %arg5[%mul3A_22] : memref<51200000xi32, #tpu.memory_space<hbm>> -> memref<100000xi32, #tpu.memory_space<hbm>>
    tpu.enqueue_dma source(%dma_start3A_23 : memref<100000xi32, #tpu.memory_space<hbm>>) target(%arg8 : memref<100000xi32, #tpu.memory_space<vmem>>) target_semaphore(%arg11 : memref<!tpu.dma_semaphore, #tpu.memory_space<semaphore_mem>>)
    %mul3A_24 = arith.constant 4096 : i32
    %mul3A_25 = arith.muli %add3A, %mul3A_24 : i32
    "tpu.region"() ({
      %run_scoped3A = tpu.sem_alloc : memref<!tpu.dma_semaphore, #tpu.memory_space<semaphore_mem>>
      %dma_start3A_36 = tpu.memref_slice %arg4[%mul3A_25] : memref<2097152xi32, #tpu.memory_space<hbm>> -> memref<4096xi32, #tpu.memory_space<hbm>>
      %dma_start3A_37 = tpu.memref_slice %arg4[%mul3A_25] : memref<2097152xi32, #tpu.memory_space<hbm>> -> memref<4096xi32, #tpu.memory_space<hbm>>
      tpu.enqueue_dma source(%dma_start3A_37 : memref<4096xi32, #tpu.memory_space<hbm>>) target(%arg10 : memref<4096xi32, #tpu.memory_space<vmem>>) target_semaphore(%run_scoped3A : memref<!tpu.dma_semaphore, #tpu.memory_space<semaphore_mem>>)
      %dma_wait3A_38 = tpu.memref_slice %arg4[%mul3A_25] : memref<2097152xi32, #tpu.memory_space<hbm>> -> memref<4096xi32, #tpu.memory_space<hbm>>
      %dma_wait3A_39 = tpu.memref_slice %arg4[%mul3A_25] : memref<2097152xi32, #tpu.memory_space<hbm>> -> memref<4096xi32, #tpu.memory_space<hbm>>
      tpu.wait_dma2 semaphore(%run_scoped3A : memref<!tpu.dma_semaphore, #tpu.memory_space<semaphore_mem>>) src(%dma_wait3A_39 : memref<4096xi32, #tpu.memory_space<hbm>>) dst(%arg10 : memref<4096xi32, #tpu.memory_space<vmem>>)
      tpu.yield
    }) : () -> ()
    %dma_wait3A = tpu.memref_slice %arg5[%mul3A_22] : memref<51200000xi32, #tpu.memory_space<hbm>> -> memref<100000xi32, #tpu.memory_space<hbm>>
    %dma_wait3A_26 = tpu.memref_slice %arg5[%mul3A_22] : memref<51200000xi32, #tpu.memory_space<hbm>> -> memref<100000xi32, #tpu.memory_space<hbm>>
    tpu.wait_dma2 semaphore(%arg11 : memref<!tpu.dma_semaphore, #tpu.memory_space<semaphore_mem>>) src(%dma_wait3A_26 : memref<100000xi32, #tpu.memory_space<hbm>>) dst(%arg8 : memref<100000xi32, #tpu.memory_space<vmem>>)
    %scan3A_27 = arith.constant 0 : i32
    %scan3A_28 = arith.constant 0 : i32
    %scan3A_29 = arith.constant 64 : i32
    %scan3A_30 = arith.addi %scan3A_28, %scan3A_29 : i32
    %scan3A_31 = arith.constant 1 : i32
    %scan3A_32 = scf.for %scan3A_36 = %scan3A_28 to %scan3A_30 step %scan3A_31 iter_args(%scan3A_37 = %scan3A_27) -> (i32)  : i32 {
      %mul3A_38 = arith.constant 4 : i32
      %mul3A_39 = arith.muli %scan3A_36, %mul3A_38 : i32
      %add3A_40 = arith.constant 0 : i32
      %add3A_41 = arith.addi %mul3A_39, %add3A_40 : i32
      %mul3A_42 = arith.constant 16 : i32
      %mul3A_43 = arith.muli %add3A_41, %mul3A_42 : i32
      %get3A = arith.index_cast %mul3A_43 : i32 to index
      %get3A_44 = tpu.vector_load %arg7[%get3A] {strides = array<i32>} : memref<4096xi32, #tpu.memory_space<vmem>>, vector<16xi32>,
      %get3A_45 = arith.index_cast %mul3A_43 : i32 to index
      %get3A_46 = tpu.vector_load %arg9[%get3A_45] {strides = array<i32>} : memref<4096xi32, #tpu.memory_space<vmem>>, vector<16xi32>,
      %gather3A = tpu.vector_load_idx %arg10[%get3A_46] : memref<4096xi32, #tpu.memory_space<vmem>>[vector<16xi32>], vector<16xi32>,
      tpu.vector_store_idx %arg8[%get3A_44], %gather3A : memref<100000xi32, #tpu.memory_space<vmem>>[vector<16xi32>], vector<16xi32>,
      %mul3A_47 = arith.constant 4 : i32
      %mul3A_48 = arith.muli %scan3A_36, %mul3A_47 : i32
      %add3A_49 = arith.constant 1 : i32
      %add3A_50 = arith.addi %mul3A_48, %add3A_49 : i32
      %mul3A_51 = arith.constant 16 : i32
      %mul3A_52 = arith.muli %add3A_50, %mul3A_51 : i32
      %get3A_53 = arith.index_cast %mul3A_52 : i32 to index
      %get3A_54 = tpu.vector_load %arg7[%get3A_53] {strides = array<i32>} : memref<4096xi32, #tpu.memory_space<vmem>>, vector<16xi32>,
      %get3A_55 = arith.index_cast %mul3A_52 : i32 to index
      %get3A_56 = tpu.vector_load %arg9[%get3A_55] {strides = array<i32>} : memref<4096xi32, #tpu.memory_space<vmem>>, vector<16xi32>,
      %gather3A_57 = tpu.vector_load_idx %arg10[%get3A_56] : memref<4096xi32, #tpu.memory_space<vmem>>[vector<16xi32>], vector<16xi32>,
      tpu.vector_store_idx %arg8[%get3A_54], %gather3A_57 : memref<100000xi32, #tpu.memory_space<vmem>>[vector<16xi32>], vector<16xi32>,
      %mul3A_58 = arith.constant 4 : i32
      %mul3A_59 = arith.muli %scan3A_36, %mul3A_58 : i32
      %add3A_60 = arith.constant 2 : i32
      %add3A_61 = arith.addi %mul3A_59, %add3A_60 : i32
      %mul3A_62 = arith.constant 16 : i32
      %mul3A_63 = arith.muli %add3A_61, %mul3A_62 : i32
      %get3A_64 = arith.index_cast %mul3A_63 : i32 to index
      %get3A_65 = tpu.vector_load %arg7[%get3A_64] {strides = array<i32>} : memref<4096xi32, #tpu.memory_space<vmem>>, vector<16xi32>,
      %get3A_66 = arith.index_cast %mul3A_63 : i32 to index
      %get3A_67 = tpu.vector_load %arg9[%get3A_66] {strides = array<i32>} : memref<4096xi32, #tpu.memory_space<vmem>>, vector<16xi32>,
      %gather3A_68 = tpu.vector_load_idx %arg10[%get3A_67] : memref<4096xi32, #tpu.memory_space<vmem>>[vector<16xi32>], vector<16xi32>,
      tpu.vector_store_idx %arg8[%get3A_65], %gather3A_68 : memref<100000xi32, #tpu.memory_space<vmem>>[vector<16xi32>], vector<16xi32>,
      %mul3A_69 = arith.constant 4 : i32
      %mul3A_70 = arith.muli %scan3A_36, %mul3A_69 : i32
      %add3A_71 = arith.constant 3 : i32
      %add3A_72 = arith.addi %mul3A_70, %add3A_71 : i32
      %mul3A_73 = arith.constant 16 : i32
      %mul3A_74 = arith.muli %add3A_72, %mul3A_73 : i32
      %get3A_75 = arith.index_cast %mul3A_74 : i32 to index
      %get3A_76 = tpu.vector_load %arg7[%get3A_75] {strides = array<i32>} : memref<4096xi32, #tpu.memory_space<vmem>>, vector<16xi32>,
      %get3A_77 = arith.index_cast %mul3A_74 : i32 to index
      %get3A_78 = tpu.vector_load %arg9[%get3A_77] {strides = array<i32>} : memref<4096xi32, #tpu.memory_space<vmem>>, vector<16xi32>,
      %gather3A_79 = tpu.vector_load_idx %arg10[%get3A_78] : memref<4096xi32, #tpu.memory_space<vmem>>[vector<16xi32>], vector<16xi32>,
      tpu.vector_store_idx %arg8[%get3A_76], %gather3A_79 : memref<100000xi32, #tpu.memory_space<vmem>>[vector<16xi32>], vector<16xi32>,
      %scan3A_80 = arith.constant 0 : i32
      scf.yield %scan3A_80 : i32
    }
    %scan3A_33 = arith.constant 64 : i32
    %mul3A_34 = arith.constant 100000 : i32
    %mul3A_35 = arith.muli %add3A, %mul3A_34 : i32
    "tpu.region"() ({
      %run_scoped3A = tpu.sem_alloc : memref<!tpu.dma_semaphore, #tpu.memory_space<semaphore_mem>>
      %dma_start3A_36 = tpu.memref_slice %arg5[%mul3A_35] : memref<51200000xi32, #tpu.memory_space<hbm>> -> memref<100000xi32, #tpu.memory_space<hbm>>
      %dma_start3A_37 = tpu.memref_slice %arg5[%mul3A_35] : memref<51200000xi32, #tpu.memory_space<hbm>> -> memref<100000xi32, #tpu.memory_space<hbm>>
      tpu.enqueue_dma source(%arg8 : memref<100000xi32, #tpu.memory_space<vmem>>) target(%dma_start3A_37 : memref<100000xi32, #tpu.memory_space<hbm>>) target_semaphore(%run_scoped3A : memref<!tpu.dma_semaphore, #tpu.memory_space<semaphore_mem>>)
      %dma_wait3A_38 = tpu.memref_slice %arg5[%mul3A_35] : memref<51200000xi32, #tpu.memory_space<hbm>> -> memref<100000xi32, #tpu.memory_space<hbm>>
      %dma_wait3A_39 = tpu.memref_slice %arg5[%mul3A_35] : memref<51200000xi32, #tpu.memory_space<hbm>> -> memref<100000xi32, #tpu.memory_space<hbm>>
      tpu.wait_dma2 semaphore(%run_scoped3A : memref<!tpu.dma_semaphore, #tpu.memory_space<semaphore_mem>>) src(%arg8 : memref<100000xi32, #tpu.memory_space<vmem>>) dst(%dma_wait3A_39 : memref<100000xi32, #tpu.memory_space<hbm>>)
      tpu.yield
    }) : () -> ()
    return
  }
}

module attributes {stable_mosaic.version = 14 : i64} {
  func.func @_copy_body(%arg0: memref<51200000xi32, #tpu.memory_space<hbm>>, %arg1: memref<51200000xi32, #tpu.memory_space<hbm>>, %arg2: memref<8x128000xi32, #tpu.memory_space<vmem>>, %arg3: memref<8x!tpu.dma_semaphore, #tpu.memory_space<semaphore_mem>>, %arg4: memref<8x!tpu.dma_semaphore, #tpu.memory_space<semaphore_mem>>) attributes {dimension_semantics = [], scalar_prefetch = 0 : i64, scratch_operands = 3 : i64, tpu.core_type = #tpu.core_type<tc>} {
    %dma_start3A = arith.constant 0 : i32
    %dma_start3A_0 = arith.constant 0 : i32
    %dma_start3A_1 = tpu.memref_slice %arg3[%dma_start3A_0] : memref<8x!tpu.dma_semaphore, #tpu.memory_space<semaphore_mem>> -> memref<1x!tpu.dma_semaphore, #tpu.memory_space<semaphore_mem>>
    %dma_start3A_2 = tpu.memref_squeeze %dma_start3A_1 : memref<1x!tpu.dma_semaphore, #tpu.memory_space<semaphore_mem>> -> memref<!tpu.dma_semaphore, #tpu.memory_space<semaphore_mem>>
    %dma_start3A_3 = arith.constant 0 : i32
    %dma_start3A_4 = tpu.memref_slice %arg2[%dma_start3A, %dma_start3A_3] : memref<8x128000xi32, #tpu.memory_space<vmem>> -> memref<1x128000xi32, #tpu.memory_space<vmem>>
    %dma_start3A_5 = tpu.memref_squeeze %dma_start3A_4 : memref<1x128000xi32, #tpu.memory_space<vmem>> -> memref<128000xi32, #tpu.memory_space<vmem>>
    %dma_start3A_6 = arith.constant 0 : i32
    %dma_start3A_7 = tpu.memref_slice %arg0[%dma_start3A_6] : memref<51200000xi32, #tpu.memory_space<hbm>> -> memref<128000xi32, #tpu.memory_space<hbm>>
    tpu.enqueue_dma source(%dma_start3A_7 : memref<128000xi32, #tpu.memory_space<hbm>>) target(%dma_start3A_5 : memref<128000xi32, #tpu.memory_space<vmem>>) target_semaphore(%dma_start3A_2 : memref<!tpu.dma_semaphore, #tpu.memory_space<semaphore_mem>>)
    %dma_start3A_8 = arith.constant 1 : i32
    %dma_start3A_9 = arith.constant 1 : i32
    %dma_start3A_10 = tpu.memref_slice %arg3[%dma_start3A_9] : memref<8x!tpu.dma_semaphore, #tpu.memory_space<semaphore_mem>> -> memref<1x!tpu.dma_semaphore, #tpu.memory_space<semaphore_mem>>
    %dma_start3A_11 = tpu.memref_squeeze %dma_start3A_10 : memref<1x!tpu.dma_semaphore, #tpu.memory_space<semaphore_mem>> -> memref<!tpu.dma_semaphore, #tpu.memory_space<semaphore_mem>>
    %dma_start3A_12 = arith.constant 0 : i32
    %dma_start3A_13 = tpu.memref_slice %arg2[%dma_start3A_8, %dma_start3A_12] : memref<8x128000xi32, #tpu.memory_space<vmem>> -> memref<1x128000xi32, #tpu.memory_space<vmem>>
    %dma_start3A_14 = tpu.memref_squeeze %dma_start3A_13 : memref<1x128000xi32, #tpu.memory_space<vmem>> -> memref<128000xi32, #tpu.memory_space<vmem>>
    %dma_start3A_15 = arith.constant 128000 : i32
    %dma_start3A_16 = tpu.memref_slice %arg0[%dma_start3A_15] : memref<51200000xi32, #tpu.memory_space<hbm>> -> memref<128000xi32, #tpu.memory_space<hbm>>
    tpu.enqueue_dma source(%dma_start3A_16 : memref<128000xi32, #tpu.memory_space<hbm>>) target(%dma_start3A_14 : memref<128000xi32, #tpu.memory_space<vmem>>) target_semaphore(%dma_start3A_11 : memref<!tpu.dma_semaphore, #tpu.memory_space<semaphore_mem>>)
    %dma_start3A_17 = arith.constant 2 : i32
    %dma_start3A_18 = arith.constant 2 : i32
    %dma_start3A_19 = tpu.memref_slice %arg3[%dma_start3A_18] : memref<8x!tpu.dma_semaphore, #tpu.memory_space<semaphore_mem>> -> memref<1x!tpu.dma_semaphore, #tpu.memory_space<semaphore_mem>>
    %dma_start3A_20 = tpu.memref_squeeze %dma_start3A_19 : memref<1x!tpu.dma_semaphore, #tpu.memory_space<semaphore_mem>> -> memref<!tpu.dma_semaphore, #tpu.memory_space<semaphore_mem>>
    %dma_start3A_21 = arith.constant 0 : i32
    %dma_start3A_22 = tpu.memref_slice %arg2[%dma_start3A_17, %dma_start3A_21] : memref<8x128000xi32, #tpu.memory_space<vmem>> -> memref<1x128000xi32, #tpu.memory_space<vmem>>
    %dma_start3A_23 = tpu.memref_squeeze %dma_start3A_22 : memref<1x128000xi32, #tpu.memory_space<vmem>> -> memref<128000xi32, #tpu.memory_space<vmem>>
    %dma_start3A_24 = arith.constant 256000 : i32
    %dma_start3A_25 = tpu.memref_slice %arg0[%dma_start3A_24] : memref<51200000xi32, #tpu.memory_space<hbm>> -> memref<128000xi32, #tpu.memory_space<hbm>>
    tpu.enqueue_dma source(%dma_start3A_25 : memref<128000xi32, #tpu.memory_space<hbm>>) target(%dma_start3A_23 : memref<128000xi32, #tpu.memory_space<vmem>>) target_semaphore(%dma_start3A_20 : memref<!tpu.dma_semaphore, #tpu.memory_space<semaphore_mem>>)
    %dma_start3A_26 = arith.constant 3 : i32
    %dma_start3A_27 = arith.constant 3 : i32
    %dma_start3A_28 = tpu.memref_slice %arg3[%dma_start3A_27] : memref<8x!tpu.dma_semaphore, #tpu.memory_space<semaphore_mem>> -> memref<1x!tpu.dma_semaphore, #tpu.memory_space<semaphore_mem>>
    %dma_start3A_29 = tpu.memref_squeeze %dma_start3A_28 : memref<1x!tpu.dma_semaphore, #tpu.memory_space<semaphore_mem>> -> memref<!tpu.dma_semaphore, #tpu.memory_space<semaphore_mem>>
    %dma_start3A_30 = arith.constant 0 : i32
    %dma_start3A_31 = tpu.memref_slice %arg2[%dma_start3A_26, %dma_start3A_30] : memref<8x128000xi32, #tpu.memory_space<vmem>> -> memref<1x128000xi32, #tpu.memory_space<vmem>>
    %dma_start3A_32 = tpu.memref_squeeze %dma_start3A_31 : memref<1x128000xi32, #tpu.memory_space<vmem>> -> memref<128000xi32, #tpu.memory_space<vmem>>
    %dma_start3A_33 = arith.constant 384000 : i32
    %dma_start3A_34 = tpu.memref_slice %arg0[%dma_start3A_33] : memref<51200000xi32, #tpu.memory_space<hbm>> -> memref<128000xi32, #tpu.memory_space<hbm>>
    tpu.enqueue_dma source(%dma_start3A_34 : memref<128000xi32, #tpu.memory_space<hbm>>) target(%dma_start3A_32 : memref<128000xi32, #tpu.memory_space<vmem>>) target_semaphore(%dma_start3A_29 : memref<!tpu.dma_semaphore, #tpu.memory_space<semaphore_mem>>)
    %dma_start3A_35 = arith.constant 4 : i32
    %dma_start3A_36 = arith.constant 4 : i32
    %dma_start3A_37 = tpu.memref_slice %arg3[%dma_start3A_36] : memref<8x!tpu.dma_semaphore, #tpu.memory_space<semaphore_mem>> -> memref<1x!tpu.dma_semaphore, #tpu.memory_space<semaphore_mem>>
    %dma_start3A_38 = tpu.memref_squeeze %dma_start3A_37 : memref<1x!tpu.dma_semaphore, #tpu.memory_space<semaphore_mem>> -> memref<!tpu.dma_semaphore, #tpu.memory_space<semaphore_mem>>
    %dma_start3A_39 = arith.constant 0 : i32
    %dma_start3A_40 = tpu.memref_slice %arg2[%dma_start3A_35, %dma_start3A_39] : memref<8x128000xi32, #tpu.memory_space<vmem>> -> memref<1x128000xi32, #tpu.memory_space<vmem>>
    %dma_start3A_41 = tpu.memref_squeeze %dma_start3A_40 : memref<1x128000xi32, #tpu.memory_space<vmem>> -> memref<128000xi32, #tpu.memory_space<vmem>>
    %dma_start3A_42 = arith.constant 512000 : i32
    %dma_start3A_43 = tpu.memref_slice %arg0[%dma_start3A_42] : memref<51200000xi32, #tpu.memory_space<hbm>> -> memref<128000xi32, #tpu.memory_space<hbm>>
    tpu.enqueue_dma source(%dma_start3A_43 : memref<128000xi32, #tpu.memory_space<hbm>>) target(%dma_start3A_41 : memref<128000xi32, #tpu.memory_space<vmem>>) target_semaphore(%dma_start3A_38 : memref<!tpu.dma_semaphore, #tpu.memory_space<semaphore_mem>>)
    %dma_wait3A = arith.constant 0 : i32
    %dma_wait3A_44 = arith.constant 0 : i32
    %dma_wait3A_45 = tpu.memref_slice %arg3[%dma_wait3A_44] : memref<8x!tpu.dma_semaphore, #tpu.memory_space<semaphore_mem>> -> memref<1x!tpu.dma_semaphore, #tpu.memory_space<semaphore_mem>>
    %dma_wait3A_46 = tpu.memref_squeeze %dma_wait3A_45 : memref<1x!tpu.dma_semaphore, #tpu.memory_space<semaphore_mem>> -> memref<!tpu.dma_semaphore, #tpu.memory_space<semaphore_mem>>
    %dma_wait3A_47 = arith.constant 0 : i32
    %dma_wait3A_48 = tpu.memref_slice %arg2[%dma_wait3A, %dma_wait3A_47] : memref<8x128000xi32, #tpu.memory_space<vmem>> -> memref<1x128000xi32, #tpu.memory_space<vmem>>
    %dma_wait3A_49 = tpu.memref_squeeze %dma_wait3A_48 : memref<1x128000xi32, #tpu.memory_space<vmem>> -> memref<128000xi32, #tpu.memory_space<vmem>>
    %dma_wait3A_50 = arith.constant 0 : i32
    %dma_wait3A_51 = tpu.memref_slice %arg0[%dma_wait3A_50] : memref<51200000xi32, #tpu.memory_space<hbm>> -> memref<128000xi32, #tpu.memory_space<hbm>>
    tpu.wait_dma2 semaphore(%dma_wait3A_46 : memref<!tpu.dma_semaphore, #tpu.memory_space<semaphore_mem>>) src(%dma_wait3A_51 : memref<128000xi32, #tpu.memory_space<hbm>>) dst(%dma_wait3A_49 : memref<128000xi32, #tpu.memory_space<vmem>>)
    %dma_start3A_52 = arith.constant 0 : i32
    %dma_start3A_53 = arith.constant 0 : i32
    %dma_start3A_54 = tpu.memref_slice %arg4[%dma_start3A_53] : memref<8x!tpu.dma_semaphore, #tpu.memory_space<semaphore_mem>> -> memref<1x!tpu.dma_semaphore, #tpu.memory_space<semaphore_mem>>
    %dma_start3A_55 = tpu.memref_squeeze %dma_start3A_54 : memref<1x!tpu.dma_semaphore, #tpu.memory_space<semaphore_mem>> -> memref<!tpu.dma_semaphore, #tpu.memory_space<semaphore_mem>>
    %dma_start3A_56 = arith.constant 0 : i32
    %dma_start3A_57 = tpu.memref_slice %arg1[%dma_start3A_56] : memref<51200000xi32, #tpu.memory_space<hbm>> -> memref<128000xi32, #tpu.memory_space<hbm>>
    %dma_start3A_58 = arith.constant 0 : i32
    %dma_start3A_59 = tpu.memref_slice %arg2[%dma_start3A_52, %dma_start3A_58] : memref<8x128000xi32, #tpu.memory_space<vmem>> -> memref<1x128000xi32, #tpu.memory_space<vmem>>
    %dma_start3A_60 = tpu.memref_squeeze %dma_start3A_59 : memref<1x128000xi32, #tpu.memory_space<vmem>> -> memref<128000xi32, #tpu.memory_space<vmem>>
    tpu.enqueue_dma source(%dma_start3A_60 : memref<128000xi32, #tpu.memory_space<vmem>>) target(%dma_start3A_57 : memref<128000xi32, #tpu.memory_space<hbm>>) target_semaphore(%dma_start3A_55 : memref<!tpu.dma_semaphore, #tpu.memory_space<semaphore_mem>>)
    %dma_start3A_61 = arith.constant 5 : i32
    %dma_start3A_62 = arith.constant 5 : i32
    %dma_start3A_63 = tpu.memref_slice %arg3[%dma_start3A_62] : memref<8x!tpu.dma_semaphore, #tpu.memory_space<semaphore_mem>> -> memref<1x!tpu.dma_semaphore, #tpu.memory_space<semaphore_mem>>
    %dma_start3A_64 = tpu.memref_squeeze %dma_start3A_63 : memref<1x!tpu.dma_semaphore, #tpu.memory_space<semaphore_mem>> -> memref<!tpu.dma_semaphore, #tpu.memory_space<semaphore_mem>>
    %dma_start3A_65 = arith.constant 0 : i32
    %dma_start3A_66 = tpu.memref_slice %arg2[%dma_start3A_61, %dma_start3A_65] : memref<8x128000xi32, #tpu.memory_space<vmem>> -> memref<1x128000xi32, #tpu.memory_space<vmem>>
    %dma_start3A_67 = tpu.memref_squeeze %dma_start3A_66 : memref<1x128000xi32, #tpu.memory_space<vmem>> -> memref<128000xi32, #tpu.memory_space<vmem>>
    %dma_start3A_68 = arith.constant 640000 : i32
    %dma_start3A_69 = tpu.memref_slice %arg0[%dma_start3A_68] : memref<51200000xi32, #tpu.memory_space<hbm>> -> memref<128000xi32, #tpu.memory_space<hbm>>
    tpu.enqueue_dma source(%dma_start3A_69 : memref<128000xi32, #tpu.memory_space<hbm>>) target(%dma_start3A_67 : memref<128000xi32, #tpu.memory_space<vmem>>) target_semaphore(%dma_start3A_64 : memref<!tpu.dma_semaphore, #tpu.memory_space<semaphore_mem>>)
    %dma_wait3A_70 = arith.constant 1 : i32
    %dma_wait3A_71 = arith.constant 1 : i32
    %dma_wait3A_72 = tpu.memref_slice %arg3[%dma_wait3A_71] : memref<8x!tpu.dma_semaphore, #tpu.memory_space<semaphore_mem>> -> memref<1x!tpu.dma_semaphore, #tpu.memory_space<semaphore_mem>>
    %dma_wait3A_73 = tpu.memref_squeeze %dma_wait3A_72 : memref<1x!tpu.dma_semaphore, #tpu.memory_space<semaphore_mem>> -> memref<!tpu.dma_semaphore, #tpu.memory_space<semaphore_mem>>
    %dma_wait3A_74 = arith.constant 0 : i32
    %dma_wait3A_75 = tpu.memref_slice %arg2[%dma_wait3A_70, %dma_wait3A_74] : memref<8x128000xi32, #tpu.memory_space<vmem>> -> memref<1x128000xi32, #tpu.memory_space<vmem>>
    %dma_wait3A_76 = tpu.memref_squeeze %dma_wait3A_75 : memref<1x128000xi32, #tpu.memory_space<vmem>> -> memref<128000xi32, #tpu.memory_space<vmem>>
    %dma_wait3A_77 = arith.constant 128000 : i32
    %dma_wait3A_78 = tpu.memref_slice %arg0[%dma_wait3A_77] : memref<51200000xi32, #tpu.memory_space<hbm>> -> memref<128000xi32, #tpu.memory_space<hbm>>
    tpu.wait_dma2 semaphore(%dma_wait3A_73 : memref<!tpu.dma_semaphore, #tpu.memory_space<semaphore_mem>>) src(%dma_wait3A_78 : memref<128000xi32, #tpu.memory_space<hbm>>) dst(%dma_wait3A_76 : memref<128000xi32, #tpu.memory_space<vmem>>)
    %dma_start3A_79 = arith.constant 1 : i32
    %dma_start3A_80 = arith.constant 1 : i32
    %dma_start3A_81 = tpu.memref_slice %arg4[%dma_start3A_80] : memref<8x!tpu.dma_semaphore, #tpu.memory_space<semaphore_mem>> -> memref<1x!tpu.dma_semaphore, #tpu.memory_space<semaphore_mem>>
    %dma_start3A_82 = tpu.memref_squeeze %dma_start3A_81 : memref<1x!tpu.dma_semaphore, #tpu.memory_space<semaphore_mem>> -> memref<!tpu.dma_semaphore, #tpu.memory_space<semaphore_mem>>
    %dma_start3A_83 = arith.constant 128000 : i32
    %dma_start3A_84 = tpu.memref_slice %arg1[%dma_start3A_83] : memref<51200000xi32, #tpu.memory_space<hbm>> -> memref<128000xi32, #tpu.memory_space<hbm>>
    %dma_start3A_85 = arith.constant 0 : i32
    %dma_start3A_86 = tpu.memref_slice %arg2[%dma_start3A_79, %dma_start3A_85] : memref<8x128000xi32, #tpu.memory_space<vmem>> -> memref<1x128000xi32, #tpu.memory_space<vmem>>
    %dma_start3A_87 = tpu.memref_squeeze %dma_start3A_86 : memref<1x128000xi32, #tpu.memory_space<vmem>> -> memref<128000xi32, #tpu.memory_space<vmem>>
    tpu.enqueue_dma source(%dma_start3A_87 : memref<128000xi32, #tpu.memory_space<vmem>>) target(%dma_start3A_84 : memref<128000xi32, #tpu.memory_space<hbm>>) target_semaphore(%dma_start3A_82 : memref<!tpu.dma_semaphore, #tpu.memory_space<semaphore_mem>>)
    %dma_start3A_88 = arith.constant 6 : i32
    %dma_start3A_89 = arith.constant 6 : i32
    %dma_start3A_90 = tpu.memref_slice %arg3[%dma_start3A_89] : memref<8x!tpu.dma_semaphore, #tpu.memory_space<semaphore_mem>> -> memref<1x!tpu.dma_semaphore, #tpu.memory_space<semaphore_mem>>
    %dma_start3A_91 = tpu.memref_squeeze %dma_start3A_90 : memref<1x!tpu.dma_semaphore, #tpu.memory_space<semaphore_mem>> -> memref<!tpu.dma_semaphore, #tpu.memory_space<semaphore_mem>>
    %dma_start3A_92 = arith.constant 0 : i32
    %dma_start3A_93 = tpu.memref_slice %arg2[%dma_start3A_88, %dma_start3A_92] : memref<8x128000xi32, #tpu.memory_space<vmem>> -> memref<1x128000xi32, #tpu.memory_space<vmem>>
    %dma_start3A_94 = tpu.memref_squeeze %dma_start3A_93 : memref<1x128000xi32, #tpu.memory_space<vmem>> -> memref<128000xi32, #tpu.memory_space<vmem>>
    %dma_start3A_95 = arith.constant 768000 : i32
    %dma_start3A_96 = tpu.memref_slice %arg0[%dma_start3A_95] : memref<51200000xi32, #tpu.memory_space<hbm>> -> memref<128000xi32, #tpu.memory_space<hbm>>
    tpu.enqueue_dma source(%dma_start3A_96 : memref<128000xi32, #tpu.memory_space<hbm>>) target(%dma_start3A_94 : memref<128000xi32, #tpu.memory_space<vmem>>) target_semaphore(%dma_start3A_91 : memref<!tpu.dma_semaphore, #tpu.memory_space<semaphore_mem>>)
    %dma_wait3A_97 = arith.constant 2 : i32
    %dma_wait3A_98 = arith.constant 2 : i32
    %dma_wait3A_99 = tpu.memref_slice %arg3[%dma_wait3A_98] : memref<8x!tpu.dma_semaphore, #tpu.memory_space<semaphore_mem>> -> memref<1x!tpu.dma_semaphore, #tpu.memory_space<semaphore_mem>>
    %dma_wait3A_100 = tpu.memref_squeeze %dma_wait3A_99 : memref<1x!tpu.dma_semaphore, #tpu.memory_space<semaphore_mem>> -> memref<!tpu.dma_semaphore, #tpu.memory_space<semaphore_mem>>
    %dma_wait3A_101 = arith.constant 0 : i32
    %dma_wait3A_102 = tpu.memref_slice %arg2[%dma_wait3A_97, %dma_wait3A_101] : memref<8x128000xi32, #tpu.memory_space<vmem>> -> memref<1x128000xi32, #tpu.memory_space<vmem>>
    %dma_wait3A_103 = tpu.memref_squeeze %dma_wait3A_102 : memref<1x128000xi32, #tpu.memory_space<vmem>> -> memref<128000xi32, #tpu.memory_space<vmem>>
    %dma_wait3A_104 = arith.constant 256000 : i32
    %dma_wait3A_105 = tpu.memref_slice %arg0[%dma_wait3A_104] : memref<51200000xi32, #tpu.memory_space<hbm>> -> memref<128000xi32, #tpu.memory_space<hbm>>
    tpu.wait_dma2 semaphore(%dma_wait3A_100 : memref<!tpu.dma_semaphore, #tpu.memory_space<semaphore_mem>>) src(%dma_wait3A_105 : memref<128000xi32, #tpu.memory_space<hbm>>) dst(%dma_wait3A_103 : memref<128000xi32, #tpu.memory_space<vmem>>)
    %dma_start3A_106 = arith.constant 2 : i32
    %dma_start3A_107 = arith.constant 2 : i32
    %dma_start3A_108 = tpu.memref_slice %arg4[%dma_start3A_107] : memref<8x!tpu.dma_semaphore, #tpu.memory_space<semaphore_mem>> -> memref<1x!tpu.dma_semaphore, #tpu.memory_space<semaphore_mem>>
    %dma_start3A_109 = tpu.memref_squeeze %dma_start3A_108 : memref<1x!tpu.dma_semaphore, #tpu.memory_space<semaphore_mem>> -> memref<!tpu.dma_semaphore, #tpu.memory_space<semaphore_mem>>
    %dma_start3A_110 = arith.constant 256000 : i32
    %dma_start3A_111 = tpu.memref_slice %arg1[%dma_start3A_110] : memref<51200000xi32, #tpu.memory_space<hbm>> -> memref<128000xi32, #tpu.memory_space<hbm>>
    %dma_start3A_112 = arith.constant 0 : i32
    %dma_start3A_113 = tpu.memref_slice %arg2[%dma_start3A_106, %dma_start3A_112] : memref<8x128000xi32, #tpu.memory_space<vmem>> -> memref<1x128000xi32, #tpu.memory_space<vmem>>
    %dma_start3A_114 = tpu.memref_squeeze %dma_start3A_113 : memref<1x128000xi32, #tpu.memory_space<vmem>> -> memref<128000xi32, #tpu.memory_space<vmem>>
    tpu.enqueue_dma source(%dma_start3A_114 : memref<128000xi32, #tpu.memory_space<vmem>>) target(%dma_start3A_111 : memref<128000xi32, #tpu.memory_space<hbm>>) target_semaphore(%dma_start3A_109 : memref<!tpu.dma_semaphore, #tpu.memory_space<semaphore_mem>>)
    %dma_start3A_115 = arith.constant 7 : i32
    %dma_start3A_116 = arith.constant 7 : i32
    %dma_start3A_117 = tpu.memref_slice %arg3[%dma_start3A_116] : memref<8x!tpu.dma_semaphore, #tpu.memory_space<semaphore_mem>> -> memref<1x!tpu.dma_semaphore, #tpu.memory_space<semaphore_mem>>
    %dma_start3A_118 = tpu.memref_squeeze %dma_start3A_117 : memref<1x!tpu.dma_semaphore, #tpu.memory_space<semaphore_mem>> -> memref<!tpu.dma_semaphore, #tpu.memory_space<semaphore_mem>>
    %dma_start3A_119 = arith.constant 0 : i32
    %dma_start3A_120 = tpu.memref_slice %arg2[%dma_start3A_115, %dma_start3A_119] : memref<8x128000xi32, #tpu.memory_space<vmem>> -> memref<1x128000xi32, #tpu.memory_space<vmem>>
    %dma_start3A_121 = tpu.memref_squeeze %dma_start3A_120 : memref<1x128000xi32, #tpu.memory_space<vmem>> -> memref<128000xi32, #tpu.memory_space<vmem>>
    %dma_start3A_122 = arith.constant 896000 : i32
    %dma_start3A_123 = tpu.memref_slice %arg0[%dma_start3A_122] : memref<51200000xi32, #tpu.memory_space<hbm>> -> memref<128000xi32, #tpu.memory_space<hbm>>
    tpu.enqueue_dma source(%dma_start3A_123 : memref<128000xi32, #tpu.memory_space<hbm>>) target(%dma_start3A_121 : memref<128000xi32, #tpu.memory_space<vmem>>) target_semaphore(%dma_start3A_118 : memref<!tpu.dma_semaphore, #tpu.memory_space<semaphore_mem>>)
    %dma_wait3A_124 = arith.constant 3 : i32
    %dma_wait3A_125 = arith.constant 3 : i32
    %dma_wait3A_126 = tpu.memref_slice %arg3[%dma_wait3A_125] : memref<8x!tpu.dma_semaphore, #tpu.memory_space<semaphore_mem>> -> memref<1x!tpu.dma_semaphore, #tpu.memory_space<semaphore_mem>>
    %dma_wait3A_127 = tpu.memref_squeeze %dma_wait3A_126 : memref<1x!tpu.dma_semaphore, #tpu.memory_space<semaphore_mem>> -> memref<!tpu.dma_semaphore, #tpu.memory_space<semaphore_mem>>
    %dma_wait3A_128 = arith.constant 0 : i32
    %dma_wait3A_129 = tpu.memref_slice %arg2[%dma_wait3A_124, %dma_wait3A_128] : memref<8x128000xi32, #tpu.memory_space<vmem>> -> memref<1x128000xi32, #tpu.memory_space<vmem>>
    %dma_wait3A_130 = tpu.memref_squeeze %dma_wait3A_129 : memref<1x128000xi32, #tpu.memory_space<vmem>> -> memref<128000xi32, #tpu.memory_space<vmem>>
    %dma_wait3A_131 = arith.constant 384000 : i32
    %dma_wait3A_132 = tpu.memref_slice %arg0[%dma_wait3A_131] : memref<51200000xi32, #tpu.memory_space<hbm>> -> memref<128000xi32, #tpu.memory_space<hbm>>
    tpu.wait_dma2 semaphore(%dma_wait3A_127 : memref<!tpu.dma_semaphore, #tpu.memory_space<semaphore_mem>>) src(%dma_wait3A_132 : memref<128000xi32, #tpu.memory_space<hbm>>) dst(%dma_wait3A_130 : memref<128000xi32, #tpu.memory_space<vmem>>)
    %dma_start3A_133 = arith.constant 3 : i32
    %dma_start3A_134 = arith.constant 3 : i32
    %dma_start3A_135 = tpu.memref_slice %arg4[%dma_start3A_134] : memref<8x!tpu.dma_semaphore, #tpu.memory_space<semaphore_mem>> -> memref<1x!tpu.dma_semaphore, #tpu.memory_space<semaphore_mem>>
    %dma_start3A_136 = tpu.memref_squeeze %dma_start3A_135 : memref<1x!tpu.dma_semaphore, #tpu.memory_space<semaphore_mem>> -> memref<!tpu.dma_semaphore, #tpu.memory_space<semaphore_mem>>
    %dma_start3A_137 = arith.constant 384000 : i32
    %dma_start3A_138 = tpu.memref_slice %arg1[%dma_start3A_137] : memref<51200000xi32, #tpu.memory_space<hbm>> -> memref<128000xi32, #tpu.memory_space<hbm>>
    %dma_start3A_139 = arith.constant 0 : i32
    %dma_start3A_140 = tpu.memref_slice %arg2[%dma_start3A_133, %dma_start3A_139] : memref<8x128000xi32, #tpu.memory_space<vmem>> -> memref<1x128000xi32, #tpu.memory_space<vmem>>
    %dma_start3A_141 = tpu.memref_squeeze %dma_start3A_140 : memref<1x128000xi32, #tpu.memory_space<vmem>> -> memref<128000xi32, #tpu.memory_space<vmem>>
    tpu.enqueue_dma source(%dma_start3A_141 : memref<128000xi32, #tpu.memory_space<vmem>>) target(%dma_start3A_138 : memref<128000xi32, #tpu.memory_space<hbm>>) target_semaphore(%dma_start3A_136 : memref<!tpu.dma_semaphore, #tpu.memory_space<semaphore_mem>>)
    %dma_wait3A_142 = arith.constant 0 : i32
    %dma_wait3A_143 = arith.constant 0 : i32
    %dma_wait3A_144 = tpu.memref_slice %arg4[%dma_wait3A_143] : memref<8x!tpu.dma_semaphore, #tpu.memory_space<semaphore_mem>> -> memref<1x!tpu.dma_semaphore, #tpu.memory_space<semaphore_mem>>
    %dma_wait3A_145 = tpu.memref_squeeze %dma_wait3A_144 : memref<1x!tpu.dma_semaphore, #tpu.memory_space<semaphore_mem>> -> memref<!tpu.dma_semaphore, #tpu.memory_space<semaphore_mem>>
    %dma_wait3A_146 = arith.constant 0 : i32
    %dma_wait3A_147 = tpu.memref_slice %arg1[%dma_wait3A_146] : memref<51200000xi32, #tpu.memory_space<hbm>> -> memref<128000xi32, #tpu.memory_space<hbm>>
    %dma_wait3A_148 = arith.constant 0 : i32
    %dma_wait3A_149 = tpu.memref_slice %arg2[%dma_wait3A_142, %dma_wait3A_148] : memref<8x128000xi32, #tpu.memory_space<vmem>> -> memref<1x128000xi32, #tpu.memory_space<vmem>>
    %dma_wait3A_150 = tpu.memref_squeeze %dma_wait3A_149 : memref<1x128000xi32, #tpu.memory_space<vmem>> -> memref<128000xi32, #tpu.memory_space<vmem>>
    tpu.wait_dma2 semaphore(%dma_wait3A_145 : memref<!tpu.dma_semaphore, #tpu.memory_space<semaphore_mem>>) src(%dma_wait3A_150 : memref<128000xi32, #tpu.memory_space<vmem>>) dst(%dma_wait3A_147 : memref<128000xi32, #tpu.memory_space<hbm>>)
    %dma_start3A_151 = arith.constant 0 : i32
    %dma_start3A_152 = arith.constant 0 : i32
    %dma_start3A_153 = tpu.memref_slice %arg3[%dma_start3A_152] : memref<8x!tpu.dma_semaphore, #tpu.memory_space<semaphore_mem>> -> memref<1x!tpu.dma_semaphore, #tpu.memory_space<semaphore_mem>>
    %dma_start3A_154 = tpu.memref_squeeze %dma_start3A_153 : memref<1x!tpu.dma_semaphore, #tpu.memory_space<semaphore_mem>> -> memref<!tpu.dma_semaphore, #tpu.memory_space<semaphore_mem>>
    %dma_start3A_155 = arith.constant 0 : i32
    %dma_start3A_156 = tpu.memref_slice %arg2[%dma_start3A_151, %dma_start3A_155] : memref<8x128000xi32, #tpu.memory_space<vmem>> -> memref<1x128000xi32, #tpu.memory_space<vmem>>
    %dma_start3A_157 = tpu.memref_squeeze %dma_start3A_156 : memref<1x128000xi32, #tpu.memory_space<vmem>> -> memref<128000xi32, #tpu.memory_space<vmem>>
    %dma_start3A_158 = arith.constant 1024000 : i32
    %dma_start3A_159 = tpu.memref_slice %arg0[%dma_start3A_158] : memref<51200000xi32, #tpu.memory_space<hbm>> -> memref<128000xi32, #tpu.memory_space<hbm>>
    tpu.enqueue_dma source(%dma_start3A_159 : memref<128000xi32, #tpu.memory_space<hbm>>) target(%dma_start3A_157 : memref<128000xi32, #tpu.memory_space<vmem>>) target_semaphore(%dma_start3A_154 : memref<!tpu.dma_semaphore, #tpu.memory_space<semaphore_mem>>)
    %dma_wait3A_160 = arith.constant 4 : i32
    %dma_wait3A_161 = arith.constant 4 : i32
    %dma_wait3A_162 = tpu.memref_slice %arg3[%dma_wait3A_161] : memref<8x!tpu.dma_semaphore, #tpu.memory_space<semaphore_mem>> -> memref<1x!tpu.dma_semaphore, #tpu.memory_space<semaphore_mem>>
    %dma_wait3A_163 = tpu.memref_squeeze %dma_wait3A_162 : memref<1x!tpu.dma_semaphore, #tpu.memory_space<semaphore_mem>> -> memref<!tpu.dma_semaphore, #tpu.memory_space<semaphore_mem>>
    %dma_wait3A_164 = arith.constant 0 : i32
    %dma_wait3A_165 = tpu.memref_slice %arg2[%dma_wait3A_160, %dma_wait3A_164] : memref<8x128000xi32, #tpu.memory_space<vmem>> -> memref<1x128000xi32, #tpu.memory_space<vmem>>
    %dma_wait3A_166 = tpu.memref_squeeze %dma_wait3A_165 : memref<1x128000xi32, #tpu.memory_space<vmem>> -> memref<128000xi32, #tpu.memory_space<vmem>>
    %dma_wait3A_167 = arith.constant 512000 : i32
    %dma_wait3A_168 = tpu.memref_slice %arg0[%dma_wait3A_167] : memref<51200000xi32, #tpu.memory_space<hbm>> -> memref<128000xi32, #tpu.memory_space<hbm>>
    tpu.wait_dma2 semaphore(%dma_wait3A_163 : memref<!tpu.dma_semaphore, #tpu.memory_space<semaphore_mem>>) src(%dma_wait3A_168 : memref<128000xi32, #tpu.memory_space<hbm>>) dst(%dma_wait3A_166 : memref<128000xi32, #tpu.memory_space<vmem>>)
    %dma_start3A_169 = arith.constant 4 : i32
    %dma_start3A_170 = arith.constant 4 : i32
    %dma_start3A_171 = tpu.memref_slice %arg4[%dma_start3A_170] : memref<8x!tpu.dma_semaphore, #tpu.memory_space<semaphore_mem>> -> memref<1x!tpu.dma_semaphore, #tpu.memory_space<semaphore_mem>>
    %dma_start3A_172 = tpu.memref_squeeze %dma_start3A_171 : memref<1x!tpu.dma_semaphore, #tpu.memory_space<semaphore_mem>> -> memref<!tpu.dma_semaphore, #tpu.memory_space<semaphore_mem>>
    %dma_start3A_173 = arith.constant 512000 : i32
    %dma_start3A_174 = tpu.memref_slice %arg1[%dma_start3A_173] : memref<51200000xi32, #tpu.memory_space<hbm>> -> memref<128000xi32, #tpu.memory_space<hbm>>
    %dma_start3A_175 = arith.constant 0 : i32
    %dma_start3A_176 = tpu.memref_slice %arg2[%dma_start3A_169, %dma_start3A_175] : memref<8x128000xi32, #tpu.memory_space<vmem>> -> memref<1x128000xi32, #tpu.memory_space<vmem>>
    %dma_start3A_177 = tpu.memref_squeeze %dma_start3A_176 : memref<1x128000xi32, #tpu.memory_space<vmem>> -> memref<128000xi32, #tpu.memory_space<vmem>>
    tpu.enqueue_dma source(%dma_start3A_177 : memref<128000xi32, #tpu.memory_space<vmem>>) target(%dma_start3A_174 : memref<128000xi32, #tpu.memory_space<hbm>>) target_semaphore(%dma_start3A_172 : memref<!tpu.dma_semaphore, #tpu.memory_space<semaphore_mem>>)
    %dma_wait3A_178 = arith.constant 1 : i32
    %dma_wait3A_179 = arith.constant 1 : i32
    %dma_wait3A_180 = tpu.memref_slice %arg4[%dma_wait3A_179] : memref<8x!tpu.dma_semaphore, #tpu.memory_space<semaphore_mem>> -> memref<1x!tpu.dma_semaphore, #tpu.memory_space<semaphore_mem>>
    %dma_wait3A_181 = tpu.memref_squeeze %dma_wait3A_180 : memref<1x!tpu.dma_semaphore, #tpu.memory_space<semaphore_mem>> -> memref<!tpu.dma_semaphore, #tpu.memory_space<semaphore_mem>>
    %dma_wait3A_182 = arith.constant 128000 : i32
    %dma_wait3A_183 = tpu.memref_slice %arg1[%dma_wait3A_182] : memref<51200000xi32, #tpu.memory_space<hbm>> -> memref<128000xi32, #tpu.memory_space<hbm>>
    %dma_wait3A_184 = arith.constant 0 : i32
    %dma_wait3A_185 = tpu.memref_slice %arg2[%dma_wait3A_178, %dma_wait3A_184] : memref<8x128000xi32, #tpu.memory_space<vmem>> -> memref<1x128000xi32, #tpu.memory_space<vmem>>
    %dma_wait3A_186 = tpu.memref_squeeze %dma_wait3A_185 : memref<1x128000xi32, #tpu.memory_space<vmem>> -> memref<128000xi32, #tpu.memory_space<vmem>>
    tpu.wait_dma2 semaphore(%dma_wait3A_181 : memref<!tpu.dma_semaphore, #tpu.memory_space<semaphore_mem>>) src(%dma_wait3A_186 : memref<128000xi32, #tpu.memory_space<vmem>>) dst(%dma_wait3A_183 : memref<128000xi32, #tpu.memory_space<hbm>>)
    %dma_start3A_187 = arith.constant 1 : i32
    %dma_start3A_188 = arith.constant 1 : i32
    %dma_start3A_189 = tpu.memref_slice %arg3[%dma_start3A_188] : memref<8x!tpu.dma_semaphore, #tpu.memory_space<semaphore_mem>> -> memref<1x!tpu.dma_semaphore, #tpu.memory_space<semaphore_mem>>
    %dma_start3A_190 = tpu.memref_squeeze %dma_start3A_189 : memref<1x!tpu.dma_semaphore, #tpu.memory_space<semaphore_mem>> -> memref<!tpu.dma_semaphore, #tpu.memory_space<semaphore_mem>>
    %dma_start3A_191 = arith.constant 0 : i32
    %dma_start3A_192 = tpu.memref_slice %arg2[%dma_start3A_187, %dma_start3A_191] : memref<8x128000xi32, #tpu.memory_space<vmem>> -> memref<1x128000xi32, #tpu.memory_space<vmem>>
    %dma_start3A_193 = tpu.memref_squeeze %dma_start3A_192 : memref<1x128000xi32, #tpu.memory_space<vmem>> -> memref<128000xi32, #tpu.memory_space<vmem>>
    %dma_start3A_194 = arith.constant 1152000 : i32
    %dma_start3A_195 = tpu.memref_slice %arg0[%dma_start3A_194] : memref<51200000xi32, #tpu.memory_space<hbm>> -> memref<128000xi32, #tpu.memory_space<hbm>>
    tpu.enqueue_dma source(%dma_start3A_195 : memref<128000xi32, #tpu.memory_space<hbm>>) target(%dma_start3A_193 : memref<128000xi32, #tpu.memory_space<vmem>>) target_semaphore(%dma_start3A_190 : memref<!tpu.dma_semaphore, #tpu.memory_space<semaphore_mem>>)
    %dma_wait3A_196 = arith.constant 5 : i32
    %dma_wait3A_197 = arith.constant 5 : i32
    %dma_wait3A_198 = tpu.memref_slice %arg3[%dma_wait3A_197] : memref<8x!tpu.dma_semaphore, #tpu.memory_space<semaphore_mem>> -> memref<1x!tpu.dma_semaphore, #tpu.memory_space<semaphore_mem>>
    %dma_wait3A_199 = tpu.memref_squeeze %dma_wait3A_198 : memref<1x!tpu.dma_semaphore, #tpu.memory_space<semaphore_mem>> -> memref<!tpu.dma_semaphore, #tpu.memory_space<semaphore_mem>>
    %dma_wait3A_200 = arith.constant 0 : i32
    %dma_wait3A_201 = tpu.memref_slice %arg2[%dma_wait3A_196, %dma_wait3A_200] : memref<8x128000xi32, #tpu.memory_space<vmem>> -> memref<1x128000xi32, #tpu.memory_space<vmem>>
    %dma_wait3A_202 = tpu.memref_squeeze %dma_wait3A_201 : memref<1x128000xi32, #tpu.memory_space<vmem>> -> memref<128000xi32, #tpu.memory_space<vmem>>
    %dma_wait3A_203 = arith.constant 640000 : i32
    %dma_wait3A_204 = tpu.memref_slice %arg0[%dma_wait3A_203] : memref<51200000xi32, #tpu.memory_space<hbm>> -> memref<128000xi32, #tpu.memory_space<hbm>>
    tpu.wait_dma2 semaphore(%dma_wait3A_199 : memref<!tpu.dma_semaphore, #tpu.memory_space<semaphore_mem>>) src(%dma_wait3A_204 : memref<128000xi32, #tpu.memory_space<hbm>>) dst(%dma_wait3A_202 : memref<128000xi32, #tpu.memory_space<vmem>>)
    %dma_start3A_205 = arith.constant 5 : i32
    %dma_start3A_206 = arith.constant 5 : i32
    %dma_start3A_207 = tpu.memref_slice %arg4[%dma_start3A_206] : memref<8x!tpu.dma_semaphore, #tpu.memory_space<semaphore_mem>> -> memref<1x!tpu.dma_semaphore, #tpu.memory_space<semaphore_mem>>
    %dma_start3A_208 = tpu.memref_squeeze %dma_start3A_207 : memref<1x!tpu.dma_semaphore, #tpu.memory_space<semaphore_mem>> -> memref<!tpu.dma_semaphore, #tpu.memory_space<semaphore_mem>>
    %dma_start3A_209 = arith.constant 640000 : i32
    %dma_start3A_210 = tpu.memref_slice %arg1[%dma_start3A_209] : memref<51200000xi32, #tpu.memory_space<hbm>> -> memref<128000xi32, #tpu.memory_space<hbm>>
    %dma_start3A_211 = arith.constant 0 : i32
    %dma_start3A_212 = tpu.memref_slice %arg2[%dma_start3A_205, %dma_start3A_211] : memref<8x128000xi32, #tpu.memory_space<vmem>> -> memref<1x128000xi32, #tpu.memory_space<vmem>>
    %dma_start3A_213 = tpu.memref_squeeze %dma_start3A_212 : memref<1x128000xi32, #tpu.memory_space<vmem>> -> memref<128000xi32, #tpu.memory_space<vmem>>
    tpu.enqueue_dma source(%dma_start3A_213 : memref<128000xi32, #tpu.memory_space<vmem>>) target(%dma_start3A_210 : memref<128000xi32, #tpu.memory_space<hbm>>) target_semaphore(%dma_start3A_208 : memref<!tpu.dma_semaphore, #tpu.memory_space<semaphore_mem>>)
    %dma_wait3A_214 = arith.constant 2 : i32
    %dma_wait3A_215 = arith.constant 2 : i32
    %dma_wait3A_216 = tpu.memref_slice %arg4[%dma_wait3A_215] : memref<8x!tpu.dma_semaphore, #tpu.memory_space<semaphore_mem>> -> memref<1x!tpu.dma_semaphore, #tpu.memory_space<semaphore_mem>>
    %dma_wait3A_217 = tpu.memref_squeeze %dma_wait3A_216 : memref<1x!tpu.dma_semaphore, #tpu.memory_space<semaphore_mem>> -> memref<!tpu.dma_semaphore, #tpu.memory_space<semaphore_mem>>
    %dma_wait3A_218 = arith.constant 256000 : i32
    %dma_wait3A_219 = tpu.memref_slice %arg1[%dma_wait3A_218] : memref<51200000xi32, #tpu.memory_space<hbm>> -> memref<128000xi32, #tpu.memory_space<hbm>>
    %dma_wait3A_220 = arith.constant 0 : i32
    %dma_wait3A_221 = tpu.memref_slice %arg2[%dma_wait3A_214, %dma_wait3A_220] : memref<8x128000xi32, #tpu.memory_space<vmem>> -> memref<1x128000xi32, #tpu.memory_space<vmem>>
    %dma_wait3A_222 = tpu.memref_squeeze %dma_wait3A_221 : memref<1x128000xi32, #tpu.memory_space<vmem>> -> memref<128000xi32, #tpu.memory_space<vmem>>
    tpu.wait_dma2 semaphore(%dma_wait3A_217 : memref<!tpu.dma_semaphore, #tpu.memory_space<semaphore_mem>>) src(%dma_wait3A_222 : memref<128000xi32, #tpu.memory_space<vmem>>) dst(%dma_wait3A_219 : memref<128000xi32, #tpu.memory_space<hbm>>)
    %dma_start3A_223 = arith.constant 2 : i32
    %dma_start3A_224 = arith.constant 2 : i32
    %dma_start3A_225 = tpu.memref_slice %arg3[%dma_start3A_224] : memref<8x!tpu.dma_semaphore, #tpu.memory_space<semaphore_mem>> -> memref<1x!tpu.dma_semaphore, #tpu.memory_space<semaphore_mem>>
    %dma_start3A_226 = tpu.memref_squeeze %dma_start3A_225 : memref<1x!tpu.dma_semaphore, #tpu.memory_space<semaphore_mem>> -> memref<!tpu.dma_semaphore, #tpu.memory_space<semaphore_mem>>
    %dma_start3A_227 = arith.constant 0 : i32
    %dma_start3A_228 = tpu.memref_slice %arg2[%dma_start3A_223, %dma_start3A_227] : memref<8x128000xi32, #tpu.memory_space<vmem>> -> memref<1x128000xi32, #tpu.memory_space<vmem>>
    %dma_start3A_229 = tpu.memref_squeeze %dma_start3A_228 : memref<1x128000xi32, #tpu.memory_space<vmem>> -> memref<128000xi32, #tpu.memory_space<vmem>>
    %dma_start3A_230 = arith.constant 1280000 : i32
    %dma_start3A_231 = tpu.memref_slice %arg0[%dma_start3A_230] : memref<51200000xi32, #tpu.memory_space<hbm>> -> memref<128000xi32, #tpu.memory_space<hbm>>
    tpu.enqueue_dma source(%dma_start3A_231 : memref<128000xi32, #tpu.memory_space<hbm>>) target(%dma_start3A_229 : memref<128000xi32, #tpu.memory_space<vmem>>) target_semaphore(%dma_start3A_226 : memref<!tpu.dma_semaphore, #tpu.memory_space<semaphore_mem>>)
    %dma_wait3A_232 = arith.constant 6 : i32
    %dma_wait3A_233 = arith.constant 6 : i32
    %dma_wait3A_234 = tpu.memref_slice %arg3[%dma_wait3A_233] : memref<8x!tpu.dma_semaphore, #tpu.memory_space<semaphore_mem>> -> memref<1x!tpu.dma_semaphore, #tpu.memory_space<semaphore_mem>>
    %dma_wait3A_235 = tpu.memref_squeeze %dma_wait3A_234 : memref<1x!tpu.dma_semaphore, #tpu.memory_space<semaphore_mem>> -> memref<!tpu.dma_semaphore, #tpu.memory_space<semaphore_mem>>
    %dma_wait3A_236 = arith.constant 0 : i32
    %dma_wait3A_237 = tpu.memref_slice %arg2[%dma_wait3A_232, %dma_wait3A_236] : memref<8x128000xi32, #tpu.memory_space<vmem>> -> memref<1x128000xi32, #tpu.memory_space<vmem>>
    %dma_wait3A_238 = tpu.memref_squeeze %dma_wait3A_237 : memref<1x128000xi32, #tpu.memory_space<vmem>> -> memref<128000xi32, #tpu.memory_space<vmem>>
    %dma_wait3A_239 = arith.constant 768000 : i32
    %dma_wait3A_240 = tpu.memref_slice %arg0[%dma_wait3A_239] : memref<51200000xi32, #tpu.memory_space<hbm>> -> memref<128000xi32, #tpu.memory_space<hbm>>
    tpu.wait_dma2 semaphore(%dma_wait3A_235 : memref<!tpu.dma_semaphore, #tpu.memory_space<semaphore_mem>>) src(%dma_wait3A_240 : memref<128000xi32, #tpu.memory_space<hbm>>) dst(%dma_wait3A_238 : memref<128000xi32, #tpu.memory_space<vmem>>)
    %dma_start3A_241 = arith.constant 6 : i32
    %dma_start3A_242 = arith.constant 6 : i32
    %dma_start3A_243 = tpu.memref_slice %arg4[%dma_start3A_242] : memref<8x!tpu.dma_semaphore, #tpu.memory_space<semaphore_mem>> -> memref<1x!tpu.dma_semaphore, #tpu.memory_space<semaphore_mem>>
    %dma_start3A_244 = tpu.memref_squeeze %dma_start3A_243 : memref<1x!tpu.dma_semaphore, #tpu.memory_space<semaphore_mem>> -> memref<!tpu.dma_semaphore, #tpu.memory_space<semaphore_mem>>
    %dma_start3A_245 = arith.constant 768000 : i32
    %dma_start3A_246 = tpu.memref_slice %arg1[%dma_start3A_245] : memref<51200000xi32, #tpu.memory_space<hbm>> -> memref<128000xi32, #tpu.memory_space<hbm>>
    %dma_start3A_247 = arith.constant 0 : i32
    %dma_start3A_248 = tpu.memref_slice %arg2[%dma_start3A_241, %dma_start3A_247] : memref<8x128000xi32, #tpu.memory_space<vmem>> -> memref<1x128000xi32, #tpu.memory_space<vmem>>
    %dma_start3A_249 = tpu.memref_squeeze %dma_start3A_248 : memref<1x128000xi32, #tpu.memory_space<vmem>> -> memref<128000xi32, #tpu.memory_space<vmem>>
    tpu.enqueue_dma source(%dma_start3A_249 : memref<128000xi32, #tpu.memory_space<vmem>>) target(%dma_start3A_246 : memref<128000xi32, #tpu.memory_space<hbm>>) target_semaphore(%dma_start3A_244 : memref<!tpu.dma_semaphore, #tpu.memory_space<semaphore_mem>>)
    %dma_wait3A_250 = arith.constant 3 : i32
    %dma_wait3A_251 = arith.constant 3 : i32
    %dma_wait3A_252 = tpu.memref_slice %arg4[%dma_wait3A_251] : memref<8x!tpu.dma_semaphore, #tpu.memory_space<semaphore_mem>> -> memref<1x!tpu.dma_semaphore, #tpu.memory_space<semaphore_mem>>
    %dma_wait3A_253 = tpu.memref_squeeze %dma_wait3A_252 : memref<1x!tpu.dma_semaphore, #tpu.memory_space<semaphore_mem>> -> memref<!tpu.dma_semaphore, #tpu.memory_space<semaphore_mem>>
    %dma_wait3A_254 = arith.constant 384000 : i32
    %dma_wait3A_255 = tpu.memref_slice %arg1[%dma_wait3A_254] : memref<51200000xi32, #tpu.memory_space<hbm>> -> memref<128000xi32, #tpu.memory_space<hbm>>
    %dma_wait3A_256 = arith.constant 0 : i32
    %dma_wait3A_257 = tpu.memref_slice %arg2[%dma_wait3A_250, %dma_wait3A_256] : memref<8x128000xi32, #tpu.memory_space<vmem>> -> memref<1x128000xi32, #tpu.memory_space<vmem>>
    %dma_wait3A_258 = tpu.memref_squeeze %dma_wait3A_257 : memref<1x128000xi32, #tpu.memory_space<vmem>> -> memref<128000xi32, #tpu.memory_space<vmem>>
    tpu.wait_dma2 semaphore(%dma_wait3A_253 : memref<!tpu.dma_semaphore, #tpu.memory_space<semaphore_mem>>) src(%dma_wait3A_258 : memref<128000xi32, #tpu.memory_space<vmem>>) dst(%dma_wait3A_255 : memref<128000xi32, #tpu.memory_space<hbm>>)
    %dma_start3A_259 = arith.constant 3 : i32
    %dma_start3A_260 = arith.constant 3 : i32
    %dma_start3A_261 = tpu.memref_slice %arg3[%dma_start3A_260] : memref<8x!tpu.dma_semaphore, #tpu.memory_space<semaphore_mem>> -> memref<1x!tpu.dma_semaphore, #tpu.memory_space<semaphore_mem>>
    %dma_start3A_262 = tpu.memref_squeeze %dma_start3A_261 : memref<1x!tpu.dma_semaphore, #tpu.memory_space<semaphore_mem>> -> memref<!tpu.dma_semaphore, #tpu.memory_space<semaphore_mem>>
    %dma_start3A_263 = arith.constant 0 : i32
    %dma_start3A_264 = tpu.memref_slice %arg2[%dma_start3A_259, %dma_start3A_263] : memref<8x128000xi32, #tpu.memory_space<vmem>> -> memref<1x128000xi32, #tpu.memory_space<vmem>>
    %dma_start3A_265 = tpu.memref_squeeze %dma_start3A_264 : memref<1x128000xi32, #tpu.memory_space<vmem>> -> memref<128000xi32, #tpu.memory_space<vmem>>
    %dma_start3A_266 = arith.constant 1408000 : i32
    %dma_start3A_267 = tpu.memref_slice %arg0[%dma_start3A_266] : memref<51200000xi32, #tpu.memory_space<hbm>> -> memref<128000xi32, #tpu.memory_space<hbm>>
    tpu.enqueue_dma source(%dma_start3A_267 : memref<128000xi32, #tpu.memory_space<hbm>>) target(%dma_start3A_265 : memref<128000xi32, #tpu.memory_space<vmem>>) target_semaphore(%dma_start3A_262 : memref<!tpu.dma_semaphore, #tpu.memory_space<semaphore_mem>>)
    %dma_wait3A_268 = arith.constant 7 : i32
    %dma_wait3A_269 = arith.constant 7 : i32
    %dma_wait3A_270 = tpu.memref_slice %arg3[%dma_wait3A_269] : memref<8x!tpu.dma_semaphore, #tpu.memory_space<semaphore_mem>> -> memref<1x!tpu.dma_semaphore, #tpu.memory_space<semaphore_mem>>
    %dma_wait3A_271 = tpu.memref_squeeze %dma_wait3A_270 : memref<1x!tpu.dma_semaphore, #tpu.memory_space<semaphore_mem>> -> memref<!tpu.dma_semaphore, #tpu.memory_space<semaphore_mem>>
    %dma_wait3A_272 = arith.constant 0 : i32
    %dma_wait3A_273 = tpu.memref_slice %arg2[%dma_wait3A_268, %dma_wait3A_272] : memref<8x128000xi32, #tpu.memory_space<vmem>> -> memref<1x128000xi32, #tpu.memory_space<vmem>>
    %dma_wait3A_274 = tpu.memref_squeeze %dma_wait3A_273 : memref<1x128000xi32, #tpu.memory_space<vmem>> -> memref<128000xi32, #tpu.memory_space<vmem>>
    %dma_wait3A_275 = arith.constant 896000 : i32
    %dma_wait3A_276 = tpu.memref_slice %arg0[%dma_wait3A_275] : memref<51200000xi32, #tpu.memory_space<hbm>> -> memref<128000xi32, #tpu.memory_space<hbm>>
    tpu.wait_dma2 semaphore(%dma_wait3A_271 : memref<!tpu.dma_semaphore, #tpu.memory_space<semaphore_mem>>) src(%dma_wait3A_276 : memref<128000xi32, #tpu.memory_space<hbm>>) dst(%dma_wait3A_274 : memref<128000xi32, #tpu.memory_space<vmem>>)
    %dma_start3A_277 = arith.constant 7 : i32
    %dma_start3A_278 = arith.constant 7 : i32
    %dma_start3A_279 = tpu.memref_slice %arg4[%dma_start3A_278] : memref<8x!tpu.dma_semaphore, #tpu.memory_space<semaphore_mem>> -> memref<1x!tpu.dma_semaphore, #tpu.memory_space<semaphore_mem>>
    %dma_start3A_280 = tpu.memref_squeeze %dma_start3A_279 : memref<1x!tpu.dma_semaphore, #tpu.memory_space<semaphore_mem>> -> memref<!tpu.dma_semaphore, #tpu.memory_space<semaphore_mem>>
    %dma_start3A_281 = arith.constant 896000 : i32
    %dma_start3A_282 = tpu.memref_slice %arg1[%dma_start3A_281] : memref<51200000xi32, #tpu.memory_space<hbm>> -> memref<128000xi32, #tpu.memory_space<hbm>>
    %dma_start3A_283 = arith.constant 0 : i32
    %dma_start3A_284 = tpu.memref_slice %arg2[%dma_start3A_277, %dma_start3A_283] : memref<8x128000xi32, #tpu.memory_space<vmem>> -> memref<1x128000xi32, #tpu.memory_space<vmem>>
    %dma_start3A_285 = tpu.memref_squeeze %dma_start3A_284 : memref<1x128000xi32, #tpu.memory_space<vmem>> -> memref<128000xi32, #tpu.memory_space<vmem>>
    tpu.enqueue_dma source(%dma_start3A_285 : memref<128000xi32, #tpu.memory_space<vmem>>) target(%dma_start3A_282 : memref<128000xi32, #tpu.memory_space<hbm>>) target_semaphore(%dma_start3A_280 : memref<!tpu.dma_semaphore, #tpu.memory_space<semaphore_mem>>)
    %dma_wait3A_286 = arith.constant 4 : i32
    %dma_wait3A_287 = arith.constant 4 : i32
    %dma_wait3A_288 = tpu.memref_slice %arg4[%dma_wait3A_287] : memref<8x!tpu.dma_semaphore, #tpu.memory_space<semaphore_mem>> -> memref<1x!tpu.dma_semaphore, #tpu.memory_space<semaphore_mem>>
    %dma_wait3A_289 = tpu.memref_squeeze %dma_wait3A_288 : memref<1x!tpu.dma_semaphore, #tpu.memory_space<semaphore_mem>> -> memref<!tpu.dma_semaphore, #tpu.memory_space<semaphore_mem>>
    %dma_wait3A_290 = arith.constant 512000 : i32
    %dma_wait3A_291 = tpu.memref_slice %arg1[%dma_wait3A_290] : memref<51200000xi32, #tpu.memory_space<hbm>> -> memref<128000xi32, #tpu.memory_space<hbm>>
    %dma_wait3A_292 = arith.constant 0 : i32
    %dma_wait3A_293 = tpu.memref_slice %arg2[%dma_wait3A_286, %dma_wait3A_292] : memref<8x128000xi32, #tpu.memory_space<vmem>> -> memref<1x128000xi32, #tpu.memory_space<vmem>>
    %dma_wait3A_294 = tpu.memref_squeeze %dma_wait3A_293 : memref<1x128000xi32, #tpu.memory_space<vmem>> -> memref<128000xi32, #tpu.memory_space<vmem>>
    tpu.wait_dma2 semaphore(%dma_wait3A_289 : memref<!tpu.dma_semaphore, #tpu.memory_space<semaphore_mem>>) src(%dma_wait3A_294 : memref<128000xi32, #tpu.memory_space<vmem>>) dst(%dma_wait3A_291 : memref<128000xi32, #tpu.memory_space<hbm>>)
    %dma_start3A_295 = arith.constant 4 : i32
    %dma_start3A_296 = arith.constant 4 : i32
    %dma_start3A_297 = tpu.memref_slice %arg3[%dma_start3A_296] : memref<8x!tpu.dma_semaphore, #tpu.memory_space<semaphore_mem>> -> memref<1x!tpu.dma_semaphore, #tpu.memory_space<semaphore_mem>>
    %dma_start3A_298 = tpu.memref_squeeze %dma_start3A_297 : memref<1x!tpu.dma_semaphore, #tpu.memory_space<semaphore_mem>> -> memref<!tpu.dma_semaphore, #tpu.memory_space<semaphore_mem>>
    %dma_start3A_299 = arith.constant 0 : i32
    %dma_start3A_300 = tpu.memref_slice %arg2[%dma_start3A_295, %dma_start3A_299] : memref<8x128000xi32, #tpu.memory_space<vmem>> -> memref<1x128000xi32, #tpu.memory_space<vmem>>
    %dma_start3A_301 = tpu.memref_squeeze %dma_start3A_300 : memref<1x128000xi32, #tpu.memory_space<vmem>> -> memref<128000xi32, #tpu.memory_space<vmem>>
    %dma_start3A_302 = arith.constant 1536000 : i32
    %dma_start3A_303 = tpu.memref_slice %arg0[%dma_start3A_302] : memref<51200000xi32, #tpu.memory_space<hbm>> -> memref<128000xi32, #tpu.memory_space<hbm>>
    tpu.enqueue_dma source(%dma_start3A_303 : memref<128000xi32, #tpu.memory_space<hbm>>) target(%dma_start3A_301 : memref<128000xi32, #tpu.memory_space<vmem>>) target_semaphore(%dma_start3A_298 : memref<!tpu.dma_semaphore, #tpu.memory_space<semaphore_mem>>)
    %dma_wait3A_304 = arith.constant 0 : i32
    %dma_wait3A_305 = arith.constant 0 : i32
    %dma_wait3A_306 = tpu.memref_slice %arg3[%dma_wait3A_305] : memref<8x!tpu.dma_semaphore, #tpu.memory_space<semaphore_mem>> -> memref<1x!tpu.dma_semaphore, #tpu.memory_space<semaphore_mem>>
    %dma_wait3A_307 = tpu.memref_squeeze %dma_wait3A_306 : memref<1x!tpu.dma_semaphore, #tpu.memory_space<semaphore_mem>> -> memref<!tpu.dma_semaphore, #tpu.memory_space<semaphore_mem>>
    %dma_wait3A_308 = arith.constant 0 : i32
    %dma_wait3A_309 = tpu.memref_slice %arg2[%dma_wait3A_304, %dma_wait3A_308] : memref<8x128000xi32, #tpu.memory_space<vmem>> -> memref<1x128000xi32, #tpu.memory_space<vmem>>
    %dma_wait3A_310 = tpu.memref_squeeze %dma_wait3A_309 : memref<1x128000xi32, #tpu.memory_space<vmem>> -> memref<128000xi32, #tpu.memory_space<vmem>>
    %dma_wait3A_311 = arith.constant 1024000 : i32
    %dma_wait3A_312 = tpu.memref_slice %arg0[%dma_wait3A_311] : memref<51200000xi32, #tpu.memory_space<hbm>> -> memref<128000xi32, #tpu.memory_space<hbm>>
    tpu.wait_dma2 semaphore(%dma_wait3A_307 : memref<!tpu.dma_semaphore, #tpu.memory_space<semaphore_mem>>) src(%dma_wait3A_312 : memref<128000xi32, #tpu.memory_space<hbm>>) dst(%dma_wait3A_310 : memref<128000xi32, #tpu.memory_space<vmem>>)
    %dma_start3A_313 = arith.constant 0 : i32
    %dma_start3A_314 = arith.constant 0 : i32
    %dma_start3A_315 = tpu.memref_slice %arg4[%dma_start3A_314] : memref<8x!tpu.dma_semaphore, #tpu.memory_space<semaphore_mem>> -> memref<1x!tpu.dma_semaphore, #tpu.memory_space<semaphore_mem>>
    %dma_start3A_316 = tpu.memref_squeeze %dma_start3A_315 : memref<1x!tpu.dma_semaphore, #tpu.memory_space<semaphore_mem>> -> memref<!tpu.dma_semaphore, #tpu.memory_space<semaphore_mem>>
    %dma_start3A_317 = arith.constant 1024000 : i32
    %dma_start3A_318 = tpu.memref_slice %arg1[%dma_start3A_317] : memref<51200000xi32, #tpu.memory_space<hbm>> -> memref<128000xi32, #tpu.memory_space<hbm>>
    %dma_start3A_319 = arith.constant 0 : i32
    %dma_start3A_320 = tpu.memref_slice %arg2[%dma_start3A_313, %dma_start3A_319] : memref<8x128000xi32, #tpu.memory_space<vmem>> -> memref<1x128000xi32, #tpu.memory_space<vmem>>
    %dma_start3A_321 = tpu.memref_squeeze %dma_start3A_320 : memref<1x128000xi32, #tpu.memory_space<vmem>> -> memref<128000xi32, #tpu.memory_space<vmem>>
    tpu.enqueue_dma source(%dma_start3A_321 : memref<128000xi32, #tpu.memory_space<vmem>>) target(%dma_start3A_318 : memref<128000xi32, #tpu.memory_space<hbm>>) target_semaphore(%dma_start3A_316 : memref<!tpu.dma_semaphore, #tpu.memory_space<semaphore_mem>>)
    %dma_wait3A_322 = arith.constant 5 : i32
    %dma_wait3A_323 = arith.constant 5 : i32
    %dma_wait3A_324 = tpu.memref_slice %arg4[%dma_wait3A_323] : memref<8x!tpu.dma_semaphore, #tpu.memory_space<semaphore_mem>> -> memref<1x!tpu.dma_semaphore, #tpu.memory_space<semaphore_mem>>
    %dma_wait3A_325 = tpu.memref_squeeze %dma_wait3A_324 : memref<1x!tpu.dma_semaphore, #tpu.memory_space<semaphore_mem>> -> memref<!tpu.dma_semaphore, #tpu.memory_space<semaphore_mem>>
    %dma_wait3A_326 = arith.constant 640000 : i32
    %dma_wait3A_327 = tpu.memref_slice %arg1[%dma_wait3A_326] : memref<51200000xi32, #tpu.memory_space<hbm>> -> memref<128000xi32, #tpu.memory_space<hbm>>
    %dma_wait3A_328 = arith.constant 0 : i32
    %dma_wait3A_329 = tpu.memref_slice %arg2[%dma_wait3A_322, %dma_wait3A_328] : memref<8x128000xi32, #tpu.memory_space<vmem>> -> memref<1x128000xi32, #tpu.memory_space<vmem>>
    %dma_wait3A_330 = tpu.memref_squeeze %dma_wait3A_329 : memref<1x128000xi32, #tpu.memory_space<vmem>> -> memref<128000xi32, #tpu.memory_space<vmem>>
    tpu.wait_dma2 semaphore(%dma_wait3A_325 : memref<!tpu.dma_semaphore, #tpu.memory_space<semaphore_mem>>) src(%dma_wait3A_330 : memref<128000xi32, #tpu.memory_space<vmem>>) dst(%dma_wait3A_327 : memref<128000xi32, #tpu.memory_space<hbm>>)
    %dma_start3A_331 = arith.constant 5 : i32
    %dma_start3A_332 = arith.constant 5 : i32
    %dma_start3A_333 = tpu.memref_slice %arg3[%dma_start3A_332] : memref<8x!tpu.dma_semaphore, #tpu.memory_space<semaphore_mem>> -> memref<1x!tpu.dma_semaphore, #tpu.memory_space<semaphore_mem>>
    %dma_start3A_334 = tpu.memref_squeeze %dma_start3A_333 : memref<1x!tpu.dma_semaphore, #tpu.memory_space<semaphore_mem>> -> memref<!tpu.dma_semaphore, #tpu.memory_space<semaphore_mem>>
    %dma_start3A_335 = arith.constant 0 : i32
    %dma_start3A_336 = tpu.memref_slice %arg2[%dma_start3A_331, %dma_start3A_335] : memref<8x128000xi32, #tpu.memory_space<vmem>> -> memref<1x128000xi32, #tpu.memory_space<vmem>>
    %dma_start3A_337 = tpu.memref_squeeze %dma_start3A_336 : memref<1x128000xi32, #tpu.memory_space<vmem>> -> memref<128000xi32, #tpu.memory_space<vmem>>
    %dma_start3A_338 = arith.constant 1664000 : i32
    %dma_start3A_339 = tpu.memref_slice %arg0[%dma_start3A_338] : memref<51200000xi32, #tpu.memory_space<hbm>> -> memref<128000xi32, #tpu.memory_space<hbm>>
    tpu.enqueue_dma source(%dma_start3A_339 : memref<128000xi32, #tpu.memory_space<hbm>>) target(%dma_start3A_337 : memref<128000xi32, #tpu.memory_space<vmem>>) target_semaphore(%dma_start3A_334 : memref<!tpu.dma_semaphore, #tpu.memory_space<semaphore_mem>>)
    %dma_wait3A_340 = arith.constant 1 : i32
    %dma_wait3A_341 = arith.constant 1 : i32
    %dma_wait3A_342 = tpu.memref_slice %arg3[%dma_wait3A_341] : memref<8x!tpu.dma_semaphore, #tpu.memory_space<semaphore_mem>> -> memref<1x!tpu.dma_semaphore, #tpu.memory_space<semaphore_mem>>
    %dma_wait3A_343 = tpu.memref_squeeze %dma_wait3A_342 : memref<1x!tpu.dma_semaphore, #tpu.memory_space<semaphore_mem>> -> memref<!tpu.dma_semaphore, #tpu.memory_space<semaphore_mem>>
    %dma_wait3A_344 = arith.constant 0 : i32
    %dma_wait3A_345 = tpu.memref_slice %arg2[%dma_wait3A_340, %dma_wait3A_344] : memref<8x128000xi32, #tpu.memory_space<vmem>> -> memref<1x128000xi32, #tpu.memory_space<vmem>>
    %dma_wait3A_346 = tpu.memref_squeeze %dma_wait3A_345 : memref<1x128000xi32, #tpu.memory_space<vmem>> -> memref<128000xi32, #tpu.memory_space<vmem>>
    %dma_wait3A_347 = arith.constant 1152000 : i32
    %dma_wait3A_348 = tpu.memref_slice %arg0[%dma_wait3A_347] : memref<51200000xi32, #tpu.memory_space<hbm>> -> memref<128000xi32, #tpu.memory_space<hbm>>
    tpu.wait_dma2 semaphore(%dma_wait3A_343 : memref<!tpu.dma_semaphore, #tpu.memory_space<semaphore_mem>>) src(%dma_wait3A_348 : memref<128000xi32, #tpu.memory_space<hbm>>) dst(%dma_wait3A_346 : memref<128000xi32, #tpu.memory_space<vmem>>)
    %dma_start3A_349 = arith.constant 1 : i32
    %dma_start3A_350 = arith.constant 1 : i32
    %dma_start3A_351 = tpu.memref_slice %arg4[%dma_start3A_350] : memref<8x!tpu.dma_semaphore, #tpu.memory_space<semaphore_mem>> -> memref<1x!tpu.dma_semaphore, #tpu.memory_space<semaphore_mem>>
    %dma_start3A_352 = tpu.memref_squeeze %dma_start3A_351 : memref<1x!tpu.dma_semaphore, #tpu.memory_space<semaphore_mem>> -> memref<!tpu.dma_semaphore, #tpu.memory_space<semaphore_mem>>
    %dma_start3A_353 = arith.constant 1152000 : i32
    %dma_start3A_354 = tpu.memref_slice %arg1[%dma_start3A_353] : memref<51200000xi32, #tpu.memory_space<hbm>> -> memref<128000xi32, #tpu.memory_space<hbm>>
    %dma_start3A_355 = arith.constant 0 : i32
    %dma_start3A_356 = tpu.memref_slice %arg2[%dma_start3A_349, %dma_start3A_355] : memref<8x128000xi32, #tpu.memory_space<vmem>> -> memref<1x128000xi32, #tpu.memory_space<vmem>>
    %dma_start3A_357 = tpu.memref_squeeze %dma_start3A_356 : memref<1x128000xi32, #tpu.memory_space<vmem>> -> memref<128000xi32, #tpu.memory_space<vmem>>
    tpu.enqueue_dma source(%dma_start3A_357 : memref<128000xi32, #tpu.memory_space<vmem>>) target(%dma_start3A_354 : memref<128000xi32, #tpu.memory_space<hbm>>) target_semaphore(%dma_start3A_352 : memref<!tpu.dma_semaphore, #tpu.memory_space<semaphore_mem>>)
    %dma_wait3A_358 = arith.constant 6 : i32
    %dma_wait3A_359 = arith.constant 6 : i32
    %dma_wait3A_360 = tpu.memref_slice %arg4[%dma_wait3A_359] : memref<8x!tpu.dma_semaphore, #tpu.memory_space<semaphore_mem>> -> memref<1x!tpu.dma_semaphore, #tpu.memory_space<semaphore_mem>>
    %dma_wait3A_361 = tpu.memref_squeeze %dma_wait3A_360 : memref<1x!tpu.dma_semaphore, #tpu.memory_space<semaphore_mem>> -> memref<!tpu.dma_semaphore, #tpu.memory_space<semaphore_mem>>
    %dma_wait3A_362 = arith.constant 768000 : i32
    %dma_wait3A_363 = tpu.memref_slice %arg1[%dma_wait3A_362] : memref<51200000xi32, #tpu.memory_space<hbm>> -> memref<128000xi32, #tpu.memory_space<hbm>>
    %dma_wait3A_364 = arith.constant 0 : i32
    %dma_wait3A_365 = tpu.memref_slice %arg2[%dma_wait3A_358, %dma_wait3A_364] : memref<8x128000xi32, #tpu.memory_space<vmem>> -> memref<1x128000xi32, #tpu.memory_space<vmem>>
    %dma_wait3A_366 = tpu.memref_squeeze %dma_wait3A_365 : memref<1x128000xi32, #tpu.memory_space<vmem>> -> memref<128000xi32, #tpu.memory_space<vmem>>
    tpu.wait_dma2 semaphore(%dma_wait3A_361 : memref<!tpu.dma_semaphore, #tpu.memory_space<semaphore_mem>>) src(%dma_wait3A_366 : memref<128000xi32, #tpu.memory_space<vmem>>) dst(%dma_wait3A_363 : memref<128000xi32, #tpu.memory_space<hbm>>)
    %dma_start3A_367 = arith.constant 6 : i32
    %dma_start3A_368 = arith.constant 6 : i32
    %dma_start3A_369 = tpu.memref_slice %arg3[%dma_start3A_368] : memref<8x!tpu.dma_semaphore, #tpu.memory_space<semaphore_mem>> -> memref<1x!tpu.dma_semaphore, #tpu.memory_space<semaphore_mem>>
    %dma_start3A_370 = tpu.memref_squeeze %dma_start3A_369 : memref<1x!tpu.dma_semaphore, #tpu.memory_space<semaphore_mem>> -> memref<!tpu.dma_semaphore, #tpu.memory_space<semaphore_mem>>
    %dma_start3A_371 = arith.constant 0 : i32
    %dma_start3A_372 = tpu.memref_slice %arg2[%dma_start3A_367, %dma_start3A_371] : memref<8x128000xi32, #tpu.memory_space<vmem>> -> memref<1x128000xi32, #tpu.memory_space<vmem>>
    %dma_start3A_373 = tpu.memref_squeeze %dma_start3A_372 : memref<1x128000xi32, #tpu.memory_space<vmem>> -> memref<128000xi32, #tpu.memory_space<vmem>>
    %dma_start3A_374 = arith.constant 1792000 : i32
    %dma_start3A_375 = tpu.memref_slice %arg0[%dma_start3A_374] : memref<51200000xi32, #tpu.memory_space<hbm>> -> memref<128000xi32, #tpu.memory_space<hbm>>
    tpu.enqueue_dma source(%dma_start3A_375 : memref<128000xi32, #tpu.memory_space<hbm>>) target(%dma_start3A_373 : memref<128000xi32, #tpu.memory_space<vmem>>) target_semaphore(%dma_start3A_370 : memref<!tpu.dma_semaphore, #tpu.memory_space<semaphore_mem>>)
    %dma_wait3A_376 = arith.constant 2 : i32
    %dma_wait3A_377 = arith.constant 2 : i32
    %dma_wait3A_378 = tpu.memref_slice %arg3[%dma_wait3A_377] : memref<8x!tpu.dma_semaphore, #tpu.memory_space<semaphore_mem>> -> memref<1x!tpu.dma_semaphore, #tpu.memory_space<semaphore_mem>>
    %dma_wait3A_379 = tpu.memref_squeeze %dma_wait3A_378 : memref<1x!tpu.dma_semaphore, #tpu.memory_space<semaphore_mem>> -> memref<!tpu.dma_semaphore, #tpu.memory_space<semaphore_mem>>
    %dma_wait3A_380 = arith.constant 0 : i32
    %dma_wait3A_381 = tpu.memref_slice %arg2[%dma_wait3A_376, %dma_wait3A_380] : memref<8x128000xi32, #tpu.memory_space<vmem>> -> memref<1x128000xi32, #tpu.memory_space<vmem>>
    %dma_wait3A_382 = tpu.memref_squeeze %dma_wait3A_381 : memref<1x128000xi32, #tpu.memory_space<vmem>> -> memref<128000xi32, #tpu.memory_space<vmem>>
    %dma_wait3A_383 = arith.constant 1280000 : i32
    %dma_wait3A_384 = tpu.memref_slice %arg0[%dma_wait3A_383] : memref<51200000xi32, #tpu.memory_space<hbm>> -> memref<128000xi32, #tpu.memory_space<hbm>>
    tpu.wait_dma2 semaphore(%dma_wait3A_379 : memref<!tpu.dma_semaphore, #tpu.memory_space<semaphore_mem>>) src(%dma_wait3A_384 : memref<128000xi32, #tpu.memory_space<hbm>>) dst(%dma_wait3A_382 : memref<128000xi32, #tpu.memory_space<vmem>>)
    %dma_start3A_385 = arith.constant 2 : i32
    %dma_start3A_386 = arith.constant 2 : i32
    %dma_start3A_387 = tpu.memref_slice %arg4[%dma_start3A_386] : memref<8x!tpu.dma_semaphore, #tpu.memory_space<semaphore_mem>> -> memref<1x!tpu.dma_semaphore, #tpu.memory_space<semaphore_mem>>
    %dma_start3A_388 = tpu.memref_squeeze %dma_start3A_387 : memref<1x!tpu.dma_semaphore, #tpu.memory_space<semaphore_mem>> -> memref<!tpu.dma_semaphore, #tpu.memory_space<semaphore_mem>>
    %dma_start3A_389 = arith.constant 1280000 : i32
    %dma_start3A_390 = tpu.memref_slice %arg1[%dma_start3A_389] : memref<51200000xi32, #tpu.memory_space<hbm>> -> memref<128000xi32, #tpu.memory_space<hbm>>
    %dma_start3A_391 = arith.constant 0 : i32
    %dma_start3A_392 = tpu.memref_slice %arg2[%dma_start3A_385, %dma_start3A_391] : memref<8x128000xi32, #tpu.memory_space<vmem>> -> memref<1x128000xi32, #tpu.memory_space<vmem>>
    %dma_start3A_393 = tpu.memref_squeeze %dma_start3A_392 : memref<1x128000xi32, #tpu.memory_space<vmem>> -> memref<128000xi32, #tpu.memory_space<vmem>>
    tpu.enqueue_dma source(%dma_start3A_393 : memref<128000xi32, #tpu.memory_space<vmem>>) target(%dma_start3A_390 : memref<128000xi32, #tpu.memory_space<hbm>>) target_semaphore(%dma_start3A_388 : memref<!tpu.dma_semaphore, #tpu.memory_space<semaphore_mem>>)
    %dma_wait3A_394 = arith.constant 7 : i32
    %dma_wait3A_395 = arith.constant 7 : i32
    %dma_wait3A_396 = tpu.memref_slice %arg4[%dma_wait3A_395] : memref<8x!tpu.dma_semaphore, #tpu.memory_space<semaphore_mem>> -> memref<1x!tpu.dma_semaphore, #tpu.memory_space<semaphore_mem>>
    %dma_wait3A_397 = tpu.memref_squeeze %dma_wait3A_396 : memref<1x!tpu.dma_semaphore, #tpu.memory_space<semaphore_mem>> -> memref<!tpu.dma_semaphore, #tpu.memory_space<semaphore_mem>>
    %dma_wait3A_398 = arith.constant 896000 : i32
    %dma_wait3A_399 = tpu.memref_slice %arg1[%dma_wait3A_398] : memref<51200000xi32, #tpu.memory_space<hbm>> -> memref<128000xi32, #tpu.memory_space<hbm>>
    %dma_wait3A_400 = arith.constant 0 : i32
    %dma_wait3A_401 = tpu.memref_slice %arg2[%dma_wait3A_394, %dma_wait3A_400] : memref<8x128000xi32, #tpu.memory_space<vmem>> -> memref<1x128000xi32, #tpu.memory_space<vmem>>
    %dma_wait3A_402 = tpu.memref_squeeze %dma_wait3A_401 : memref<1x128000xi32, #tpu.memory_space<vmem>> -> memref<128000xi32, #tpu.memory_space<vmem>>
    tpu.wait_dma2 semaphore(%dma_wait3A_397 : memref<!tpu.dma_semaphore, #tpu.memory_space<semaphore_mem>>) src(%dma_wait3A_402 : memref<128000xi32, #tpu.memory_space<vmem>>) dst(%dma_wait3A_399 : memref<128000xi32, #tpu.memory_space<hbm>>)
    %dma_start3A_403 = arith.constant 7 : i32
    %dma_start3A_404 = arith.constant 7 : i32
    %dma_start3A_405 = tpu.memref_slice %arg3[%dma_start3A_404] : memref<8x!tpu.dma_semaphore, #tpu.memory_space<semaphore_mem>> -> memref<1x!tpu.dma_semaphore, #tpu.memory_space<semaphore_mem>>
    %dma_start3A_406 = tpu.memref_squeeze %dma_start3A_405 : memref<1x!tpu.dma_semaphore, #tpu.memory_space<semaphore_mem>> -> memref<!tpu.dma_semaphore, #tpu.memory_space<semaphore_mem>>
    %dma_start3A_407 = arith.constant 0 : i32
    %dma_start3A_408 = tpu.memref_slice %arg2[%dma_start3A_403, %dma_start3A_407] : memref<8x128000xi32, #tpu.memory_space<vmem>> -> memref<1x128000xi32, #tpu.memory_space<vmem>>
    %dma_start3A_409 = tpu.memref_squeeze %dma_start3A_408 : memref<1x128000xi32, #tpu.memory_space<vmem>> -> memref<128000xi32, #tpu.memory_space<vmem>>
    %dma_start3A_410 = arith.constant 1920000 : i32
    %dma_start3A_411 = tpu.memref_slice %arg0[%dma_start3A_410] : memref<51200000xi32, #tpu.memory_space<hbm>> -> memref<128000xi32, #tpu.memory_space<hbm>>
    tpu.enqueue_dma source(%dma_start3A_411 : memref<128000xi32, #tpu.memory_space<hbm>>) target(%dma_start3A_409 : memref<128000xi32, #tpu.memory_space<vmem>>) target_semaphore(%dma_start3A_406 : memref<!tpu.dma_semaphore, #tpu.memory_space<semaphore_mem>>)
    %dma_wait3A_412 = arith.constant 3 : i32
    %dma_wait3A_413 = arith.constant 3 : i32
    %dma_wait3A_414 = tpu.memref_slice %arg3[%dma_wait3A_413] : memref<8x!tpu.dma_semaphore, #tpu.memory_space<semaphore_mem>> -> memref<1x!tpu.dma_semaphore, #tpu.memory_space<semaphore_mem>>
    %dma_wait3A_415 = tpu.memref_squeeze %dma_wait3A_414 : memref<1x!tpu.dma_semaphore, #tpu.memory_space<semaphore_mem>> -> memref<!tpu.dma_semaphore, #tpu.memory_space<semaphore_mem>>
    %dma_wait3A_416 = arith.constant 0 : i32
    %dma_wait3A_417 = tpu.memref_slice %arg2[%dma_wait3A_412, %dma_wait3A_416] : memref<8x128000xi32, #tpu.memory_space<vmem>> -> memref<1x128000xi32, #tpu.memory_space<vmem>>
    %dma_wait3A_418 = tpu.memref_squeeze %dma_wait3A_417 : memref<1x128000xi32, #tpu.memory_space<vmem>> -> memref<128000xi32, #tpu.memory_space<vmem>>
    %dma_wait3A_419 = arith.constant 1408000 : i32
    %dma_wait3A_420 = tpu.memref_slice %arg0[%dma_wait3A_419] : memref<51200000xi32, #tpu.memory_space<hbm>> -> memref<128000xi32, #tpu.memory_space<hbm>>
    tpu.wait_dma2 semaphore(%dma_wait3A_415 : memref<!tpu.dma_semaphore, #tpu.memory_space<semaphore_mem>>) src(%dma_wait3A_420 : memref<128000xi32, #tpu.memory_space<hbm>>) dst(%dma_wait3A_418 : memref<128000xi32, #tpu.memory_space<vmem>>)
    %dma_start3A_421 = arith.constant 3 : i32
    %dma_start3A_422 = arith.constant 3 : i32
    %dma_start3A_423 = tpu.memref_slice %arg4[%dma_start3A_422] : memref<8x!tpu.dma_semaphore, #tpu.memory_space<semaphore_mem>> -> memref<1x!tpu.dma_semaphore, #tpu.memory_space<semaphore_mem>>
    %dma_start3A_424 = tpu.memref_squeeze %dma_start3A_423 : memref<1x!tpu.dma_semaphore, #tpu.memory_space<semaphore_mem>> -> memref<!tpu.dma_semaphore, #tpu.memory_space<semaphore_mem>>
    %dma_start3A_425 = arith.constant 1408000 : i32
    %dma_start3A_426 = tpu.memref_slice %arg1[%dma_start3A_425] : memref<51200000xi32, #tpu.memory_space<hbm>> -> memref<128000xi32, #tpu.memory_space<hbm>>
    %dma_start3A_427 = arith.constant 0 : i32
    %dma_start3A_428 = tpu.memref_slice %arg2[%dma_start3A_421, %dma_start3A_427] : memref<8x128000xi32, #tpu.memory_space<vmem>> -> memref<1x128000xi32, #tpu.memory_space<vmem>>
    %dma_start3A_429 = tpu.memref_squeeze %dma_start3A_428 : memref<1x128000xi32, #tpu.memory_space<vmem>> -> memref<128000xi32, #tpu.memory_space<vmem>>
    tpu.enqueue_dma source(%dma_start3A_429 : memref<128000xi32, #tpu.memory_space<vmem>>) target(%dma_start3A_426 : memref<128000xi32, #tpu.memory_space<hbm>>) target_semaphore(%dma_start3A_424 : memref<!tpu.dma_semaphore, #tpu.memory_space<semaphore_mem>>)
    %dma_wait3A_430 = arith.constant 0 : i32
    %dma_wait3A_431 = arith.constant 0 : i32
    %dma_wait3A_432 = tpu.memref_slice %arg4[%dma_wait3A_431] : memref<8x!tpu.dma_semaphore, #tpu.memory_space<semaphore_mem>> -> memref<1x!tpu.dma_semaphore, #tpu.memory_space<semaphore_mem>>
    %dma_wait3A_433 = tpu.memref_squeeze %dma_wait3A_432 : memref<1x!tpu.dma_semaphore, #tpu.memory_space<semaphore_mem>> -> memref<!tpu.dma_semaphore, #tpu.memory_space<semaphore_mem>>
    %dma_wait3A_434 = arith.constant 1024000 : i32
    %dma_wait3A_435 = tpu.memref_slice %arg1[%dma_wait3A_434] : memref<51200000xi32, #tpu.memory_space<hbm>> -> memref<128000xi32, #tpu.memory_space<hbm>>
    %dma_wait3A_436 = arith.constant 0 : i32
    %dma_wait3A_437 = tpu.memref_slice %arg2[%dma_wait3A_430, %dma_wait3A_436] : memref<8x128000xi32, #tpu.memory_space<vmem>> -> memref<1x128000xi32, #tpu.memory_space<vmem>>
    %dma_wait3A_438 = tpu.memref_squeeze %dma_wait3A_437 : memref<1x128000xi32, #tpu.memory_space<vmem>> -> memref<128000xi32, #tpu.memory_space<vmem>>
    tpu.wait_dma2 semaphore(%dma_wait3A_433 : memref<!tpu.dma_semaphore, #tpu.memory_space<semaphore_mem>>) src(%dma_wait3A_438 : memref<128000xi32, #tpu.memory_space<vmem>>) dst(%dma_wait3A_435 : memref<128000xi32, #tpu.memory_space<hbm>>)
    %dma_start3A_439 = arith.constant 0 : i32
    %dma_start3A_440 = arith.constant 0 : i32
    %dma_start3A_441 = tpu.memref_slice %arg3[%dma_start3A_440] : memref<8x!tpu.dma_semaphore, #tpu.memory_space<semaphore_mem>> -> memref<1x!tpu.dma_semaphore, #tpu.memory_space<semaphore_mem>>
    %dma_start3A_442 = tpu.memref_squeeze %dma_start3A_441 : memref<1x!tpu.dma_semaphore, #tpu.memory_space<semaphore_mem>> -> memref<!tpu.dma_semaphore, #tpu.memory_space<semaphore_mem>>
    %dma_start3A_443 = arith.constant 0 : i32
    %dma_start3A_444 = tpu.memref_slice %arg2[%dma_start3A_439, %dma_start3A_443] : memref<8x128000xi32, #tpu.memory_space<vmem>> -> memref<1x128000xi32, #tpu.memory_space<vmem>>
    %dma_start3A_445 = tpu.memref_squeeze %dma_start3A_444 : memref<1x128000xi32, #tpu.memory_space<vmem>> -> memref<128000xi32, #tpu.memory_space<vmem>>
    %dma_start3A_446 = arith.constant 2048000 : i32
    %dma_start3A_447 = tpu.memref_slice %arg0[%dma_start3A_446] : memref<51200000xi32, #tpu.memory_space<hbm>> -> memref<128000xi32, #tpu.memory_space<hbm>>
    tpu.enqueue_dma source(%dma_start3A_447 : memref<128000xi32, #tpu.memory_space<hbm>>) target(%dma_start3A_445 : memref<128000xi32, #tpu.memory_space<vmem>>) target_semaphore(%dma_start3A_442 : memref<!tpu.dma_semaphore, #tpu.memory_space<semaphore_mem>>)
    %dma_wait3A_448 = arith.constant 4 : i32
    %dma_wait3A_449 = arith.constant 4 : i32
    %dma_wait3A_450 = tpu.memref_slice %arg3[%dma_wait3A_449] : memref<8x!tpu.dma_semaphore, #tpu.memory_space<semaphore_mem>> -> memref<1x!tpu.dma_semaphore, #tpu.memory_space<semaphore_mem>>
    %dma_wait3A_451 = tpu.memref_squeeze %dma_wait3A_450 : memref<1x!tpu.dma_semaphore, #tpu.memory_space<semaphore_mem>> -> memref<!tpu.dma_semaphore, #tpu.memory_space<semaphore_mem>>
    %dma_wait3A_452 = arith.constant 0 : i32
    %dma_wait3A_453 = tpu.memref_slice %arg2[%dma_wait3A_448, %dma_wait3A_452] : memref<8x128000xi32, #tpu.memory_space<vmem>> -> memref<1x128000xi32, #tpu.memory_space<vmem>>
    %dma_wait3A_454 = tpu.memref_squeeze %dma_wait3A_453 : memref<1x128000xi32, #tpu.memory_space<vmem>> -> memref<128000xi32, #tpu.memory_space<vmem>>
    %dma_wait3A_455 = arith.constant 1536000 : i32
    %dma_wait3A_456 = tpu.memref_slice %arg0[%dma_wait3A_455] : memref<51200000xi32, #tpu.memory_space<hbm>> -> memref<128000xi32, #tpu.memory_space<hbm>>
    tpu.wait_dma2 semaphore(%dma_wait3A_451 : memref<!tpu.dma_semaphore, #tpu.memory_space<semaphore_mem>>) src(%dma_wait3A_456 : memref<128000xi32, #tpu.memory_space<hbm>>) dst(%dma_wait3A_454 : memref<128000xi32, #tpu.memory_space<vmem>>)
    %dma_start3A_457 = arith.constant 4 : i32
    %dma_start3A_458 = arith.constant 4 : i32
    %dma_start3A_459 = tpu.memref_slice %arg4[%dma_start3A_458] : memref<8x!tpu.dma_semaphore, #tpu.memory_space<semaphore_mem>> -> memref<1x!tpu.dma_semaphore, #tpu.memory_space<semaphore_mem>>
    %dma_start3A_460 = tpu.memref_squeeze %dma_start3A_459 : memref<1x!tpu.dma_semaphore, #tpu.memory_space<semaphore_mem>> -> memref<!tpu.dma_semaphore, #tpu.memory_space<semaphore_mem>>
    %dma_start3A_461 = arith.constant 1536000 : i32
    %dma_start3A_462 = tpu.memref_slice %arg1[%dma_start3A_461] : memref<51200000xi32, #tpu.memory_space<hbm>> -> memref<128000xi32, #tpu.memory_space<hbm>>
    %dma_start3A_463 = arith.constant 0 : i32
    %dma_start3A_464 = tpu.memref_slice %arg2[%dma_start3A_457, %dma_start3A_463] : memref<8x128000xi32, #tpu.memory_space<vmem>> -> memref<1x128000xi32, #tpu.memory_space<vmem>>
    %dma_start3A_465 = tpu.memref_squeeze %dma_start3A_464 : memref<1x128000xi32, #tpu.memory_space<vmem>> -> memref<128000xi32, #tpu.memory_space<vmem>>
    tpu.enqueue_dma source(%dma_start3A_465 : memref<128000xi32, #tpu.memory_space<vmem>>) target(%dma_start3A_462 : memref<128000xi32, #tpu.memory_space<hbm>>) target_semaphore(%dma_start3A_460 : memref<!tpu.dma_semaphore, #tpu.memory_space<semaphore_mem>>)
    %dma_wait3A_466 = arith.constant 1 : i32
    %dma_wait3A_467 = arith.constant 1 : i32
    %dma_wait3A_468 = tpu.memref_slice %arg4[%dma_wait3A_467] : memref<8x!tpu.dma_semaphore, #tpu.memory_space<semaphore_mem>> -> memref<1x!tpu.dma_semaphore, #tpu.memory_space<semaphore_mem>>
    %dma_wait3A_469 = tpu.memref_squeeze %dma_wait3A_468 : memref<1x!tpu.dma_semaphore, #tpu.memory_space<semaphore_mem>> -> memref<!tpu.dma_semaphore, #tpu.memory_space<semaphore_mem>>
    %dma_wait3A_470 = arith.constant 1152000 : i32
    %dma_wait3A_471 = tpu.memref_slice %arg1[%dma_wait3A_470] : memref<51200000xi32, #tpu.memory_space<hbm>> -> memref<128000xi32, #tpu.memory_space<hbm>>
    %dma_wait3A_472 = arith.constant 0 : i32
    %dma_wait3A_473 = tpu.memref_slice %arg2[%dma_wait3A_466, %dma_wait3A_472] : memref<8x128000xi32, #tpu.memory_space<vmem>> -> memref<1x128000xi32, #tpu.memory_space<vmem>>
    %dma_wait3A_474 = tpu.memref_squeeze %dma_wait3A_473 : memref<1x128000xi32, #tpu.memory_space<vmem>> -> memref<128000xi32, #tpu.memory_space<vmem>>
    tpu.wait_dma2 semaphore(%dma_wait3A_469 : memref<!tpu.dma_semaphore, #tpu.memory_space<semaphore_mem>>) src(%dma_wait3A_474 : memref<128000xi32, #tpu.memory_space<vmem>>) dst(%dma_wait3A_471 : memref<128000xi32, #tpu.memory_space<hbm>>)
    %dma_start3A_475 = arith.constant 1 : i32
    %dma_start3A_476 = arith.constant 1 : i32
    %dma_start3A_477 = tpu.memref_slice %arg3[%dma_start3A_476] : memref<8x!tpu.dma_semaphore, #tpu.memory_space<semaphore_mem>> -> memref<1x!tpu.dma_semaphore, #tpu.memory_space<semaphore_mem>>
    %dma_start3A_478 = tpu.memref_squeeze %dma_start3A_477 : memref<1x!tpu.dma_semaphore, #tpu.memory_space<semaphore_mem>> -> memref<!tpu.dma_semaphore, #tpu.memory_space<semaphore_mem>>
    %dma_start3A_479 = arith.constant 0 : i32
    %dma_start3A_480 = tpu.memref_slice %arg2[%dma_start3A_475, %dma_start3A_479] : memref<8x128000xi32, #tpu.memory_space<vmem>> -> memref<1x128000xi32, #tpu.memory_space<vmem>>
    %dma_start3A_481 = tpu.memref_squeeze %dma_start3A_480 : memref<1x128000xi32, #tpu.memory_space<vmem>> -> memref<128000xi32, #tpu.memory_space<vmem>>
    %dma_start3A_482 = arith.constant 2176000 : i32
    %dma_start3A_483 = tpu.memref_slice %arg0[%dma_start3A_482] : memref<51200000xi32, #tpu.memory_space<hbm>> -> memref<128000xi32, #tpu.memory_space<hbm>>
    tpu.enqueue_dma source(%dma_start3A_483 : memref<128000xi32, #tpu.memory_space<hbm>>) target(%dma_start3A_481 : memref<128000xi32, #tpu.memory_space<vmem>>) target_semaphore(%dma_start3A_478 : memref<!tpu.dma_semaphore, #tpu.memory_space<semaphore_mem>>)
    %dma_wait3A_484 = arith.constant 5 : i32
    %dma_wait3A_485 = arith.constant 5 : i32
    %dma_wait3A_486 = tpu.memref_slice %arg3[%dma_wait3A_485] : memref<8x!tpu.dma_semaphore, #tpu.memory_space<semaphore_mem>> -> memref<1x!tpu.dma_semaphore, #tpu.memory_space<semaphore_mem>>
    %dma_wait3A_487 = tpu.memref_squeeze %dma_wait3A_486 : memref<1x!tpu.dma_semaphore, #tpu.memory_space<semaphore_mem>> -> memref<!tpu.dma_semaphore, #tpu.memory_space<semaphore_mem>>
    %dma_wait3A_488 = arith.constant 0 : i32
    %dma_wait3A_489 = tpu.memref_slice %arg2[%dma_wait3A_484, %dma_wait3A_488] : memref<8x128000xi32, #tpu.memory_space<vmem>> -> memref<1x128000xi32, #tpu.memory_space<vmem>>
    %dma_wait3A_490 = tpu.memref_squeeze %dma_wait3A_489 : memref<1x128000xi32, #tpu.memory_space<vmem>> -> memref<128000xi32, #tpu.memory_space<vmem>>
    %dma_wait3A_491 = arith.constant 1664000 : i32
    %dma_wait3A_492 = tpu.memref_slice %arg0[%dma_wait3A_491] : memref<51200000xi32, #tpu.memory_space<hbm>> -> memref<128000xi32, #tpu.memory_space<hbm>>
    tpu.wait_dma2 semaphore(%dma_wait3A_487 : memref<!tpu.dma_semaphore, #tpu.memory_space<semaphore_mem>>) src(%dma_wait3A_492 : memref<128000xi32, #tpu.memory_space<hbm>>) dst(%dma_wait3A_490 : memref<128000xi32, #tpu.memory_space<vmem>>)
    %dma_start3A_493 = arith.constant 5 : i32
    %dma_start3A_494 = arith.constant 5 : i32
    %dma_start3A_495 = tpu.memref_slice %arg4[%dma_start3A_494] : memref<8x!tpu.dma_semaphore, #tpu.memory_space<semaphore_mem>> -> memref<1x!tpu.dma_semaphore, #tpu.memory_space<semaphore_mem>>
    %dma_start3A_496 = tpu.memref_squeeze %dma_start3A_495 : memref<1x!tpu.dma_semaphore, #tpu.memory_space<semaphore_mem>> -> memref<!tpu.dma_semaphore, #tpu.memory_space<semaphore_mem>>
    %dma_start3A_497 = arith.constant 1664000 : i32
    %dma_start3A_498 = tpu.memref_slice %arg1[%dma_start3A_497] : memref<51200000xi32, #tpu.memory_space<hbm>> -> memref<128000xi32, #tpu.memory_space<hbm>>
    %dma_start3A_499 = arith.constant 0 : i32
    %dma_start3A_500 = tpu.memref_slice %arg2[%dma_start3A_493, %dma_start3A_499] : memref<8x128000xi32, #tpu.memory_space<vmem>> -> memref<1x128000xi32, #tpu.memory_space<vmem>>
    %dma_start3A_501 = tpu.memref_squeeze %dma_start3A_500 : memref<1x128000xi32, #tpu.memory_space<vmem>> -> memref<128000xi32, #tpu.memory_space<vmem>>
    tpu.enqueue_dma source(%dma_start3A_501 : memref<128000xi32, #tpu.memory_space<vmem>>) target(%dma_start3A_498 : memref<128000xi32, #tpu.memory_space<hbm>>) target_semaphore(%dma_start3A_496 : memref<!tpu.dma_semaphore, #tpu.memory_space<semaphore_mem>>)
    %dma_wait3A_502 = arith.constant 2 : i32
    %dma_wait3A_503 = arith.constant 2 : i32
    %dma_wait3A_504 = tpu.memref_slice %arg4[%dma_wait3A_503] : memref<8x!tpu.dma_semaphore, #tpu.memory_space<semaphore_mem>> -> memref<1x!tpu.dma_semaphore, #tpu.memory_space<semaphore_mem>>
    %dma_wait3A_505 = tpu.memref_squeeze %dma_wait3A_504 : memref<1x!tpu.dma_semaphore, #tpu.memory_space<semaphore_mem>> -> memref<!tpu.dma_semaphore, #tpu.memory_space<semaphore_mem>>
    %dma_wait3A_506 = arith.constant 1280000 : i32
    %dma_wait3A_507 = tpu.memref_slice %arg1[%dma_wait3A_506] : memref<51200000xi32, #tpu.memory_space<hbm>> -> memref<128000xi32, #tpu.memory_space<hbm>>
    %dma_wait3A_508 = arith.constant 0 : i32
    %dma_wait3A_509 = tpu.memref_slice %arg2[%dma_wait3A_502, %dma_wait3A_508] : memref<8x128000xi32, #tpu.memory_space<vmem>> -> memref<1x128000xi32, #tpu.memory_space<vmem>>
    %dma_wait3A_510 = tpu.memref_squeeze %dma_wait3A_509 : memref<1x128000xi32, #tpu.memory_space<vmem>> -> memref<128000xi32, #tpu.memory_space<vmem>>
    tpu.wait_dma2 semaphore(%dma_wait3A_505 : memref<!tpu.dma_semaphore, #tpu.memory_space<semaphore_mem>>) src(%dma_wait3A_510 : memref<128000xi32, #tpu.memory_space<vmem>>) dst(%dma_wait3A_507 : memref<128000xi32, #tpu.memory_space<hbm>>)
    %dma_start3A_511 = arith.constant 2 : i32
    %dma_start3A_512 = arith.constant 2 : i32
    %dma_start3A_513 = tpu.memref_slice %arg3[%dma_start3A_512] : memref<8x!tpu.dma_semaphore, #tpu.memory_space<semaphore_mem>> -> memref<1x!tpu.dma_semaphore, #tpu.memory_space<semaphore_mem>>
    %dma_start3A_514 = tpu.memref_squeeze %dma_start3A_513 : memref<1x!tpu.dma_semaphore, #tpu.memory_space<semaphore_mem>> -> memref<!tpu.dma_semaphore, #tpu.memory_space<semaphore_mem>>
    %dma_start3A_515 = arith.constant 0 : i32
    %dma_start3A_516 = tpu.memref_slice %arg2[%dma_start3A_511, %dma_start3A_515] : memref<8x128000xi32, #tpu.memory_space<vmem>> -> memref<1x128000xi32, #tpu.memory_space<vmem>>
    %dma_start3A_517 = tpu.memref_squeeze %dma_start3A_516 : memref<1x128000xi32, #tpu.memory_space<vmem>> -> memref<128000xi32, #tpu.memory_space<vmem>>
    %dma_start3A_518 = arith.constant 2304000 : i32
    %dma_start3A_519 = tpu.memref_slice %arg0[%dma_start3A_518] : memref<51200000xi32, #tpu.memory_space<hbm>> -> memref<128000xi32, #tpu.memory_space<hbm>>
    tpu.enqueue_dma source(%dma_start3A_519 : memref<128000xi32, #tpu.memory_space<hbm>>) target(%dma_start3A_517 : memref<128000xi32, #tpu.memory_space<vmem>>) target_semaphore(%dma_start3A_514 : memref<!tpu.dma_semaphore, #tpu.memory_space<semaphore_mem>>)
    %dma_wait3A_520 = arith.constant 6 : i32
    %dma_wait3A_521 = arith.constant 6 : i32
    %dma_wait3A_522 = tpu.memref_slice %arg3[%dma_wait3A_521] : memref<8x!tpu.dma_semaphore, #tpu.memory_space<semaphore_mem>> -> memref<1x!tpu.dma_semaphore, #tpu.memory_space<semaphore_mem>>
    %dma_wait3A_523 = tpu.memref_squeeze %dma_wait3A_522 : memref<1x!tpu.dma_semaphore, #tpu.memory_space<semaphore_mem>> -> memref<!tpu.dma_semaphore, #tpu.memory_space<semaphore_mem>>
    %dma_wait3A_524 = arith.constant 0 : i32
    %dma_wait3A_525 = tpu.memref_slice %arg2[%dma_wait3A_520, %dma_wait3A_524] : memref<8x128000xi32, #tpu.memory_space<vmem>> -> memref<1x128000xi32, #tpu.memory_space<vmem>>
    %dma_wait3A_526 = tpu.memref_squeeze %dma_wait3A_525 : memref<1x128000xi32, #tpu.memory_space<vmem>> -> memref<128000xi32, #tpu.memory_space<vmem>>
    %dma_wait3A_527 = arith.constant 1792000 : i32
    %dma_wait3A_528 = tpu.memref_slice %arg0[%dma_wait3A_527] : memref<51200000xi32, #tpu.memory_space<hbm>> -> memref<128000xi32, #tpu.memory_space<hbm>>
    tpu.wait_dma2 semaphore(%dma_wait3A_523 : memref<!tpu.dma_semaphore, #tpu.memory_space<semaphore_mem>>) src(%dma_wait3A_528 : memref<128000xi32, #tpu.memory_space<hbm>>) dst(%dma_wait3A_526 : memref<128000xi32, #tpu.memory_space<vmem>>)
    %dma_start3A_529 = arith.constant 6 : i32
    %dma_start3A_530 = arith.constant 6 : i32
    %dma_start3A_531 = tpu.memref_slice %arg4[%dma_start3A_530] : memref<8x!tpu.dma_semaphore, #tpu.memory_space<semaphore_mem>> -> memref<1x!tpu.dma_semaphore, #tpu.memory_space<semaphore_mem>>
    %dma_start3A_532 = tpu.memref_squeeze %dma_start3A_531 : memref<1x!tpu.dma_semaphore, #tpu.memory_space<semaphore_mem>> -> memref<!tpu.dma_semaphore, #tpu.memory_space<semaphore_mem>>
    %dma_start3A_533 = arith.constant 1792000 : i32
    %dma_start3A_534 = tpu.memref_slice %arg1[%dma_start3A_533] : memref<51200000xi32, #tpu.memory_space<hbm>> -> memref<128000xi32, #tpu.memory_space<hbm>>
    %dma_start3A_535 = arith.constant 0 : i32
    %dma_start3A_536 = tpu.memref_slice %arg2[%dma_start3A_529, %dma_start3A_535] : memref<8x128000xi32, #tpu.memory_space<vmem>> -> memref<1x128000xi32, #tpu.memory_space<vmem>>
    %dma_start3A_537 = tpu.memref_squeeze %dma_start3A_536 : memref<1x128000xi32, #tpu.memory_space<vmem>> -> memref<128000xi32, #tpu.memory_space<vmem>>
    tpu.enqueue_dma source(%dma_start3A_537 : memref<128000xi32, #tpu.memory_space<vmem>>) target(%dma_start3A_534 : memref<128000xi32, #tpu.memory_space<hbm>>) target_semaphore(%dma_start3A_532 : memref<!tpu.dma_semaphore, #tpu.memory_space<semaphore_mem>>)
    %dma_wait3A_538 = arith.constant 3 : i32
    %dma_wait3A_539 = arith.constant 3 : i32
    %dma_wait3A_540 = tpu.memref_slice %arg4[%dma_wait3A_539] : memref<8x!tpu.dma_semaphore, #tpu.memory_space<semaphore_mem>> -> memref<1x!tpu.dma_semaphore, #tpu.memory_space<semaphore_mem>>
    %dma_wait3A_541 = tpu.memref_squeeze %dma_wait3A_540 : memref<1x!tpu.dma_semaphore, #tpu.memory_space<semaphore_mem>> -> memref<!tpu.dma_semaphore, #tpu.memory_space<semaphore_mem>>
    %dma_wait3A_542 = arith.constant 1408000 : i32
    %dma_wait3A_543 = tpu.memref_slice %arg1[%dma_wait3A_542] : memref<51200000xi32, #tpu.memory_space<hbm>> -> memref<128000xi32, #tpu.memory_space<hbm>>
    %dma_wait3A_544 = arith.constant 0 : i32
    %dma_wait3A_545 = tpu.memref_slice %arg2[%dma_wait3A_538, %dma_wait3A_544] : memref<8x128000xi32, #tpu.memory_space<vmem>> -> memref<1x128000xi32, #tpu.memory_space<vmem>>
    %dma_wait3A_546 = tpu.memref_squeeze %dma_wait3A_545 : memref<1x128000xi32, #tpu.memory_space<vmem>> -> memref<128000xi32, #tpu.memory_space<vmem>>
    tpu.wait_dma2 semaphore(%dma_wait3A_541 : memref<!tpu.dma_semaphore, #tpu.memory_space<semaphore_mem>>) src(%dma_wait3A_546 : memref<128000xi32, #tpu.memory_space<vmem>>) dst(%dma_wait3A_543 : memref<128000xi32, #tpu.memory_space<hbm>>)
    %dma_start3A_547 = arith.constant 3 : i32
    %dma_start3A_548 = arith.constant 3 : i32
    %dma_start3A_549 = tpu.memref_slice %arg3[%dma_start3A_548] : memref<8x!tpu.dma_semaphore, #tpu.memory_space<semaphore_mem>> -> memref<1x!tpu.dma_semaphore, #tpu.memory_space<semaphore_mem>>
    %dma_start3A_550 = tpu.memref_squeeze %dma_start3A_549 : memref<1x!tpu.dma_semaphore, #tpu.memory_space<semaphore_mem>> -> memref<!tpu.dma_semaphore, #tpu.memory_space<semaphore_mem>>
    %dma_start3A_551 = arith.constant 0 : i32
    %dma_start3A_552 = tpu.memref_slice %arg2[%dma_start3A_547, %dma_start3A_551] : memref<8x128000xi32, #tpu.memory_space<vmem>> -> memref<1x128000xi32, #tpu.memory_space<vmem>>
    %dma_start3A_553 = tpu.memref_squeeze %dma_start3A_552 : memref<1x128000xi32, #tpu.memory_space<vmem>> -> memref<128000xi32, #tpu.memory_space<vmem>>
    %dma_start3A_554 = arith.constant 2432000 : i32
    %dma_start3A_555 = tpu.memref_slice %arg0[%dma_start3A_554] : memref<51200000xi32, #tpu.memory_space<hbm>> -> memref<128000xi32, #tpu.memory_space<hbm>>
    tpu.enqueue_dma source(%dma_start3A_555 : memref<128000xi32, #tpu.memory_space<hbm>>) target(%dma_start3A_553 : memref<128000xi32, #tpu.memory_space<vmem>>) target_semaphore(%dma_start3A_550 : memref<!tpu.dma_semaphore, #tpu.memory_space<semaphore_mem>>)
    %dma_wait3A_556 = arith.constant 7 : i32
    %dma_wait3A_557 = arith.constant 7 : i32
    %dma_wait3A_558 = tpu.memref_slice %arg3[%dma_wait3A_557] : memref<8x!tpu.dma_semaphore, #tpu.memory_space<semaphore_mem>> -> memref<1x!tpu.dma_semaphore, #tpu.memory_space<semaphore_mem>>
    %dma_wait3A_559 = tpu.memref_squeeze %dma_wait3A_558 : memref<1x!tpu.dma_semaphore, #tpu.memory_space<semaphore_mem>> -> memref<!tpu.dma_semaphore, #tpu.memory_space<semaphore_mem>>
    %dma_wait3A_560 = arith.constant 0 : i32
    %dma_wait3A_561 = tpu.memref_slice %arg2[%dma_wait3A_556, %dma_wait3A_560] : memref<8x128000xi32, #tpu.memory_space<vmem>> -> memref<1x128000xi32, #tpu.memory_space<vmem>>
    %dma_wait3A_562 = tpu.memref_squeeze %dma_wait3A_561 : memref<1x128000xi32, #tpu.memory_space<vmem>> -> memref<128000xi32, #tpu.memory_space<vmem>>
    %dma_wait3A_563 = arith.constant 1920000 : i32
    %dma_wait3A_564 = tpu.memref_slice %arg0[%dma_wait3A_563] : memref<51200000xi32, #tpu.memory_space<hbm>> -> memref<128000xi32, #tpu.memory_space<hbm>>
    tpu.wait_dma2 semaphore(%dma_wait3A_559 : memref<!tpu.dma_semaphore, #tpu.memory_space<semaphore_mem>>) src(%dma_wait3A_564 : memref<128000xi32, #tpu.memory_space<hbm>>) dst(%dma_wait3A_562 : memref<128000xi32, #tpu.memory_space<vmem>>)
    %dma_start3A_565 = arith.constant 7 : i32
    %dma_start3A_566 = arith.constant 7 : i32
    %dma_start3A_567 = tpu.memref_slice %arg4[%dma_start3A_566] : memref<8x!tpu.dma_semaphore, #tpu.memory_space<semaphore_mem>> -> memref<1x!tpu.dma_semaphore, #tpu.memory_space<semaphore_mem>>
    %dma_start3A_568 = tpu.memref_squeeze %dma_start3A_567 : memref<1x!tpu.dma_semaphore, #tpu.memory_space<semaphore_mem>> -> memref<!tpu.dma_semaphore, #tpu.memory_space<semaphore_mem>>
    %dma_start3A_569 = arith.constant 1920000 : i32
    %dma_start3A_570 = tpu.memref_slice %arg1[%dma_start3A_569] : memref<51200000xi32, #tpu.memory_space<hbm>> -> memref<128000xi32, #tpu.memory_space<hbm>>
    %dma_start3A_571 = arith.constant 0 : i32
    %dma_start3A_572 = tpu.memref_slice %arg2[%dma_start3A_565, %dma_start3A_571] : memref<8x128000xi32, #tpu.memory_space<vmem>> -> memref<1x128000xi32, #tpu.memory_space<vmem>>
    %dma_start3A_573 = tpu.memref_squeeze %dma_start3A_572 : memref<1x128000xi32, #tpu.memory_space<vmem>> -> memref<128000xi32, #tpu.memory_space<vmem>>
    tpu.enqueue_dma source(%dma_start3A_573 : memref<128000xi32, #tpu.memory_space<vmem>>) target(%dma_start3A_570 : memref<128000xi32, #tpu.memory_space<hbm>>) target_semaphore(%dma_start3A_568 : memref<!tpu.dma_semaphore, #tpu.memory_space<semaphore_mem>>)
    %dma_wait3A_574 = arith.constant 4 : i32
    %dma_wait3A_575 = arith.constant 4 : i32
    %dma_wait3A_576 = tpu.memref_slice %arg4[%dma_wait3A_575] : memref<8x!tpu.dma_semaphore, #tpu.memory_space<semaphore_mem>> -> memref<1x!tpu.dma_semaphore, #tpu.memory_space<semaphore_mem>>
    %dma_wait3A_577 = tpu.memref_squeeze %dma_wait3A_576 : memref<1x!tpu.dma_semaphore, #tpu.memory_space<semaphore_mem>> -> memref<!tpu.dma_semaphore, #tpu.memory_space<semaphore_mem>>
    %dma_wait3A_578 = arith.constant 1536000 : i32
    %dma_wait3A_579 = tpu.memref_slice %arg1[%dma_wait3A_578] : memref<51200000xi32, #tpu.memory_space<hbm>> -> memref<128000xi32, #tpu.memory_space<hbm>>
    %dma_wait3A_580 = arith.constant 0 : i32
    %dma_wait3A_581 = tpu.memref_slice %arg2[%dma_wait3A_574, %dma_wait3A_580] : memref<8x128000xi32, #tpu.memory_space<vmem>> -> memref<1x128000xi32, #tpu.memory_space<vmem>>
    %dma_wait3A_582 = tpu.memref_squeeze %dma_wait3A_581 : memref<1x128000xi32, #tpu.memory_space<vmem>> -> memref<128000xi32, #tpu.memory_space<vmem>>
    tpu.wait_dma2 semaphore(%dma_wait3A_577 : memref<!tpu.dma_semaphore, #tpu.memory_space<semaphore_mem>>) src(%dma_wait3A_582 : memref<128000xi32, #tpu.memory_space<vmem>>) dst(%dma_wait3A_579 : memref<128000xi32, #tpu.memory_space<hbm>>)
    %dma_start3A_583 = arith.constant 4 : i32
    %dma_start3A_584 = arith.constant 4 : i32
    %dma_start3A_585 = tpu.memref_slice %arg3[%dma_start3A_584] : memref<8x!tpu.dma_semaphore, #tpu.memory_space<semaphore_mem>> -> memref<1x!tpu.dma_semaphore, #tpu.memory_space<semaphore_mem>>
    %dma_start3A_586 = tpu.memref_squeeze %dma_start3A_585 : memref<1x!tpu.dma_semaphore, #tpu.memory_space<semaphore_mem>> -> memref<!tpu.dma_semaphore, #tpu.memory_space<semaphore_mem>>
    %dma_start3A_587 = arith.constant 0 : i32
    %dma_start3A_588 = tpu.memref_slice %arg2[%dma_start3A_583, %dma_start3A_587] : memref<8x128000xi32, #tpu.memory_space<vmem>> -> memref<1x128000xi32, #tpu.memory_space<vmem>>
    %dma_start3A_589 = tpu.memref_squeeze %dma_start3A_588 : memref<1x128000xi32, #tpu.memory_space<vmem>> -> memref<128000xi32, #tpu.memory_space<vmem>>
    %dma_start3A_590 = arith.constant 2560000 : i32
    %dma_start3A_591 = tpu.memref_slice %arg0[%dma_start3A_590] : memref<51200000xi32, #tpu.memory_space<hbm>> -> memref<128000xi32, #tpu.memory_space<hbm>>
    tpu.enqueue_dma source(%dma_start3A_591 : memref<128000xi32, #tpu.memory_space<hbm>>) target(%dma_start3A_589 : memref<128000xi32, #tpu.memory_space<vmem>>) target_semaphore(%dma_start3A_586 : memref<!tpu.dma_semaphore, #tpu.memory_space<semaphore_mem>>)
    %dma_wait3A_592 = arith.constant 0 : i32
    %dma_wait3A_593 = arith.constant 0 : i32
    %dma_wait3A_594 = tpu.memref_slice %arg3[%dma_wait3A_593] : memref<8x!tpu.dma_semaphore, #tpu.memory_space<semaphore_mem>> -> memref<1x!tpu.dma_semaphore, #tpu.memory_space<semaphore_mem>>
    %dma_wait3A_595 = tpu.memref_squeeze %dma_wait3A_594 : memref<1x!tpu.dma_semaphore, #tpu.memory_space<semaphore_mem>> -> memref<!tpu.dma_semaphore, #tpu.memory_space<semaphore_mem>>
    %dma_wait3A_596 = arith.constant 0 : i32
    %dma_wait3A_597 = tpu.memref_slice %arg2[%dma_wait3A_592, %dma_wait3A_596] : memref<8x128000xi32, #tpu.memory_space<vmem>> -> memref<1x128000xi32, #tpu.memory_space<vmem>>
    %dma_wait3A_598 = tpu.memref_squeeze %dma_wait3A_597 : memref<1x128000xi32, #tpu.memory_space<vmem>> -> memref<128000xi32, #tpu.memory_space<vmem>>
    %dma_wait3A_599 = arith.constant 2048000 : i32
    %dma_wait3A_600 = tpu.memref_slice %arg0[%dma_wait3A_599] : memref<51200000xi32, #tpu.memory_space<hbm>> -> memref<128000xi32, #tpu.memory_space<hbm>>
    tpu.wait_dma2 semaphore(%dma_wait3A_595 : memref<!tpu.dma_semaphore, #tpu.memory_space<semaphore_mem>>) src(%dma_wait3A_600 : memref<128000xi32, #tpu.memory_space<hbm>>) dst(%dma_wait3A_598 : memref<128000xi32, #tpu.memory_space<vmem>>)
    %dma_start3A_601 = arith.constant 0 : i32
    %dma_start3A_602 = arith.constant 0 : i32
    %dma_start3A_603 = tpu.memref_slice %arg4[%dma_start3A_602] : memref<8x!tpu.dma_semaphore, #tpu.memory_space<semaphore_mem>> -> memref<1x!tpu.dma_semaphore, #tpu.memory_space<semaphore_mem>>
    %dma_start3A_604 = tpu.memref_squeeze %dma_start3A_603 : memref<1x!tpu.dma_semaphore, #tpu.memory_space<semaphore_mem>> -> memref<!tpu.dma_semaphore, #tpu.memory_space<semaphore_mem>>
    %dma_start3A_605 = arith.constant 2048000 : i32
    %dma_start3A_606 = tpu.memref_slice %arg1[%dma_start3A_605] : memref<51200000xi32, #tpu.memory_space<hbm>> -> memref<128000xi32, #tpu.memory_space<hbm>>
    %dma_start3A_607 = arith.constant 0 : i32
    %dma_start3A_608 = tpu.memref_slice %arg2[%dma_start3A_601, %dma_start3A_607] : memref<8x128000xi32, #tpu.memory_space<vmem>> -> memref<1x128000xi32, #tpu.memory_space<vmem>>
    %dma_start3A_609 = tpu.memref_squeeze %dma_start3A_608 : memref<1x128000xi32, #tpu.memory_space<vmem>> -> memref<128000xi32, #tpu.memory_space<vmem>>
    tpu.enqueue_dma source(%dma_start3A_609 : memref<128000xi32, #tpu.memory_space<vmem>>) target(%dma_start3A_606 : memref<128000xi32, #tpu.memory_space<hbm>>) target_semaphore(%dma_start3A_604 : memref<!tpu.dma_semaphore, #tpu.memory_space<semaphore_mem>>)
    %dma_wait3A_610 = arith.constant 5 : i32
    %dma_wait3A_611 = arith.constant 5 : i32
    %dma_wait3A_612 = tpu.memref_slice %arg4[%dma_wait3A_611] : memref<8x!tpu.dma_semaphore, #tpu.memory_space<semaphore_mem>> -> memref<1x!tpu.dma_semaphore, #tpu.memory_space<semaphore_mem>>
    %dma_wait3A_613 = tpu.memref_squeeze %dma_wait3A_612 : memref<1x!tpu.dma_semaphore, #tpu.memory_space<semaphore_mem>> -> memref<!tpu.dma_semaphore, #tpu.memory_space<semaphore_mem>>
    %dma_wait3A_614 = arith.constant 1664000 : i32
    %dma_wait3A_615 = tpu.memref_slice %arg1[%dma_wait3A_614] : memref<51200000xi32, #tpu.memory_space<hbm>> -> memref<128000xi32, #tpu.memory_space<hbm>>
    %dma_wait3A_616 = arith.constant 0 : i32
    %dma_wait3A_617 = tpu.memref_slice %arg2[%dma_wait3A_610, %dma_wait3A_616] : memref<8x128000xi32, #tpu.memory_space<vmem>> -> memref<1x128000xi32, #tpu.memory_space<vmem>>
    %dma_wait3A_618 = tpu.memref_squeeze %dma_wait3A_617 : memref<1x128000xi32, #tpu.memory_space<vmem>> -> memref<128000xi32, #tpu.memory_space<vmem>>
    tpu.wait_dma2 semaphore(%dma_wait3A_613 : memref<!tpu.dma_semaphore, #tpu.memory_space<semaphore_mem>>) src(%dma_wait3A_618 : memref<128000xi32, #tpu.memory_space<vmem>>) dst(%dma_wait3A_615 : memref<128000xi32, #tpu.memory_space<hbm>>)
    %dma_start3A_619 = arith.constant 5 : i32
    %dma_start3A_620 = arith.constant 5 : i32
    %dma_start3A_621 = tpu.memref_slice %arg3[%dma_start3A_620] : memref<8x!tpu.dma_semaphore, #tpu.memory_space<semaphore_mem>> -> memref<1x!tpu.dma_semaphore, #tpu.memory_space<semaphore_mem>>
    %dma_start3A_622 = tpu.memref_squeeze %dma_start3A_621 : memref<1x!tpu.dma_semaphore, #tpu.memory_space<semaphore_mem>> -> memref<!tpu.dma_semaphore, #tpu.memory_space<semaphore_mem>>
    %dma_start3A_623 = arith.constant 0 : i32
    %dma_start3A_624 = tpu.memref_slice %arg2[%dma_start3A_619, %dma_start3A_623] : memref<8x128000xi32, #tpu.memory_space<vmem>> -> memref<1x128000xi32, #tpu.memory_space<vmem>>
    %dma_start3A_625 = tpu.memref_squeeze %dma_start3A_624 : memref<1x128000xi32, #tpu.memory_space<vmem>> -> memref<128000xi32, #tpu.memory_space<vmem>>
    %dma_start3A_626 = arith.constant 2688000 : i32
    %dma_start3A_627 = tpu.memref_slice %arg0[%dma_start3A_626] : memref<51200000xi32, #tpu.memory_space<hbm>> -> memref<128000xi32, #tpu.memory_space<hbm>>
    tpu.enqueue_dma source(%dma_start3A_627 : memref<128000xi32, #tpu.memory_space<hbm>>) target(%dma_start3A_625 : memref<128000xi32, #tpu.memory_space<vmem>>) target_semaphore(%dma_start3A_622 : memref<!tpu.dma_semaphore, #tpu.memory_space<semaphore_mem>>)
    %dma_wait3A_628 = arith.constant 1 : i32
    %dma_wait3A_629 = arith.constant 1 : i32
    %dma_wait3A_630 = tpu.memref_slice %arg3[%dma_wait3A_629] : memref<8x!tpu.dma_semaphore, #tpu.memory_space<semaphore_mem>> -> memref<1x!tpu.dma_semaphore, #tpu.memory_space<semaphore_mem>>
    %dma_wait3A_631 = tpu.memref_squeeze %dma_wait3A_630 : memref<1x!tpu.dma_semaphore, #tpu.memory_space<semaphore_mem>> -> memref<!tpu.dma_semaphore, #tpu.memory_space<semaphore_mem>>
    %dma_wait3A_632 = arith.constant 0 : i32
    %dma_wait3A_633 = tpu.memref_slice %arg2[%dma_wait3A_628, %dma_wait3A_632] : memref<8x128000xi32, #tpu.memory_space<vmem>> -> memref<1x128000xi32, #tpu.memory_space<vmem>>
    %dma_wait3A_634 = tpu.memref_squeeze %dma_wait3A_633 : memref<1x128000xi32, #tpu.memory_space<vmem>> -> memref<128000xi32, #tpu.memory_space<vmem>>
    %dma_wait3A_635 = arith.constant 2176000 : i32
    %dma_wait3A_636 = tpu.memref_slice %arg0[%dma_wait3A_635] : memref<51200000xi32, #tpu.memory_space<hbm>> -> memref<128000xi32, #tpu.memory_space<hbm>>
    tpu.wait_dma2 semaphore(%dma_wait3A_631 : memref<!tpu.dma_semaphore, #tpu.memory_space<semaphore_mem>>) src(%dma_wait3A_636 : memref<128000xi32, #tpu.memory_space<hbm>>) dst(%dma_wait3A_634 : memref<128000xi32, #tpu.memory_space<vmem>>)
    %dma_start3A_637 = arith.constant 1 : i32
    %dma_start3A_638 = arith.constant 1 : i32
    %dma_start3A_639 = tpu.memref_slice %arg4[%dma_start3A_638] : memref<8x!tpu.dma_semaphore, #tpu.memory_space<semaphore_mem>> -> memref<1x!tpu.dma_semaphore, #tpu.memory_space<semaphore_mem>>
    %dma_start3A_640 = tpu.memref_squeeze %dma_start3A_639 : memref<1x!tpu.dma_semaphore, #tpu.memory_space<semaphore_mem>> -> memref<!tpu.dma_semaphore, #tpu.memory_space<semaphore_mem>>
    %dma_start3A_641 = arith.constant 2176000 : i32
    %dma_start3A_642 = tpu.memref_slice %arg1[%dma_start3A_641] : memref<51200000xi32, #tpu.memory_space<hbm>> -> memref<128000xi32, #tpu.memory_space<hbm>>
    %dma_start3A_643 = arith.constant 0 : i32
    %dma_start3A_644 = tpu.memref_slice %arg2[%dma_start3A_637, %dma_start3A_643] : memref<8x128000xi32, #tpu.memory_space<vmem>> -> memref<1x128000xi32, #tpu.memory_space<vmem>>
    %dma_start3A_645 = tpu.memref_squeeze %dma_start3A_644 : memref<1x128000xi32, #tpu.memory_space<vmem>> -> memref<128000xi32, #tpu.memory_space<vmem>>
    tpu.enqueue_dma source(%dma_start3A_645 : memref<128000xi32, #tpu.memory_space<vmem>>) target(%dma_start3A_642 : memref<128000xi32, #tpu.memory_space<hbm>>) target_semaphore(%dma_start3A_640 : memref<!tpu.dma_semaphore, #tpu.memory_space<semaphore_mem>>)
    %dma_wait3A_646 = arith.constant 6 : i32
    %dma_wait3A_647 = arith.constant 6 : i32
    %dma_wait3A_648 = tpu.memref_slice %arg4[%dma_wait3A_647] : memref<8x!tpu.dma_semaphore, #tpu.memory_space<semaphore_mem>> -> memref<1x!tpu.dma_semaphore, #tpu.memory_space<semaphore_mem>>
    %dma_wait3A_649 = tpu.memref_squeeze %dma_wait3A_648 : memref<1x!tpu.dma_semaphore, #tpu.memory_space<semaphore_mem>> -> memref<!tpu.dma_semaphore, #tpu.memory_space<semaphore_mem>>
    %dma_wait3A_650 = arith.constant 1792000 : i32
    %dma_wait3A_651 = tpu.memref_slice %arg1[%dma_wait3A_650] : memref<51200000xi32, #tpu.memory_space<hbm>> -> memref<128000xi32, #tpu.memory_space<hbm>>
    %dma_wait3A_652 = arith.constant 0 : i32
    %dma_wait3A_653 = tpu.memref_slice %arg2[%dma_wait3A_646, %dma_wait3A_652] : memref<8x128000xi32, #tpu.memory_space<vmem>> -> memref<1x128000xi32, #tpu.memory_space<vmem>>
    %dma_wait3A_654 = tpu.memref_squeeze %dma_wait3A_653 : memref<1x128000xi32, #tpu.memory_space<vmem>> -> memref<128000xi32, #tpu.memory_space<vmem>>
    tpu.wait_dma2 semaphore(%dma_wait3A_649 : memref<!tpu.dma_semaphore, #tpu.memory_space<semaphore_mem>>) src(%dma_wait3A_654 : memref<128000xi32, #tpu.memory_space<vmem>>) dst(%dma_wait3A_651 : memref<128000xi32, #tpu.memory_space<hbm>>)
    %dma_start3A_655 = arith.constant 6 : i32
    %dma_start3A_656 = arith.constant 6 : i32
    %dma_start3A_657 = tpu.memref_slice %arg3[%dma_start3A_656] : memref<8x!tpu.dma_semaphore, #tpu.memory_space<semaphore_mem>> -> memref<1x!tpu.dma_semaphore, #tpu.memory_space<semaphore_mem>>
    %dma_start3A_658 = tpu.memref_squeeze %dma_start3A_657 : memref<1x!tpu.dma_semaphore, #tpu.memory_space<semaphore_mem>> -> memref<!tpu.dma_semaphore, #tpu.memory_space<semaphore_mem>>
    %dma_start3A_659 = arith.constant 0 : i32
    %dma_start3A_660 = tpu.memref_slice %arg2[%dma_start3A_655, %dma_start3A_659] : memref<8x128000xi32, #tpu.memory_space<vmem>> -> memref<1x128000xi32, #tpu.memory_space<vmem>>
    %dma_start3A_661 = tpu.memref_squeeze %dma_start3A_660 : memref<1x128000xi32, #tpu.memory_space<vmem>> -> memref<128000xi32, #tpu.memory_space<vmem>>
    %dma_start3A_662 = arith.constant 2816000 : i32
    %dma_start3A_663 = tpu.memref_slice %arg0[%dma_start3A_662] : memref<51200000xi32, #tpu.memory_space<hbm>> -> memref<128000xi32, #tpu.memory_space<hbm>>
    tpu.enqueue_dma source(%dma_start3A_663 : memref<128000xi32, #tpu.memory_space<hbm>>) target(%dma_start3A_661 : memref<128000xi32, #tpu.memory_space<vmem>>) target_semaphore(%dma_start3A_658 : memref<!tpu.dma_semaphore, #tpu.memory_space<semaphore_mem>>)
    %dma_wait3A_664 = arith.constant 2 : i32
    %dma_wait3A_665 = arith.constant 2 : i32
    %dma_wait3A_666 = tpu.memref_slice %arg3[%dma_wait3A_665] : memref<8x!tpu.dma_semaphore, #tpu.memory_space<semaphore_mem>> -> memref<1x!tpu.dma_semaphore, #tpu.memory_space<semaphore_mem>>
    %dma_wait3A_667 = tpu.memref_squeeze %dma_wait3A_666 : memref<1x!tpu.dma_semaphore, #tpu.memory_space<semaphore_mem>> -> memref<!tpu.dma_semaphore, #tpu.memory_space<semaphore_mem>>
    %dma_wait3A_668 = arith.constant 0 : i32
    %dma_wait3A_669 = tpu.memref_slice %arg2[%dma_wait3A_664, %dma_wait3A_668] : memref<8x128000xi32, #tpu.memory_space<vmem>> -> memref<1x128000xi32, #tpu.memory_space<vmem>>
    %dma_wait3A_670 = tpu.memref_squeeze %dma_wait3A_669 : memref<1x128000xi32, #tpu.memory_space<vmem>> -> memref<128000xi32, #tpu.memory_space<vmem>>
    %dma_wait3A_671 = arith.constant 2304000 : i32
    %dma_wait3A_672 = tpu.memref_slice %arg0[%dma_wait3A_671] : memref<51200000xi32, #tpu.memory_space<hbm>> -> memref<128000xi32, #tpu.memory_space<hbm>>
    tpu.wait_dma2 semaphore(%dma_wait3A_667 : memref<!tpu.dma_semaphore, #tpu.memory_space<semaphore_mem>>) src(%dma_wait3A_672 : memref<128000xi32, #tpu.memory_space<hbm>>) dst(%dma_wait3A_670 : memref<128000xi32, #tpu.memory_space<vmem>>)
    %dma_start3A_673 = arith.constant 2 : i32
    %dma_start3A_674 = arith.constant 2 : i32
    %dma_start3A_675 = tpu.memref_slice %arg4[%dma_start3A_674] : memref<8x!tpu.dma_semaphore, #tpu.memory_space<semaphore_mem>> -> memref<1x!tpu.dma_semaphore, #tpu.memory_space<semaphore_mem>>
    %dma_start3A_676 = tpu.memref_squeeze %dma_start3A_675 : memref<1x!tpu.dma_semaphore, #tpu.memory_space<semaphore_mem>> -> memref<!tpu.dma_semaphore, #tpu.memory_space<semaphore_mem>>
    %dma_start3A_677 = arith.constant 2304000 : i32
    %dma_start3A_678 = tpu.memref_slice %arg1[%dma_start3A_677] : memref<51200000xi32, #tpu.memory_space<hbm>> -> memref<128000xi32, #tpu.memory_space<hbm>>
    %dma_start3A_679 = arith.constant 0 : i32
    %dma_start3A_680 = tpu.memref_slice %arg2[%dma_start3A_673, %dma_start3A_679] : memref<8x128000xi32, #tpu.memory_space<vmem>> -> memref<1x128000xi32, #tpu.memory_space<vmem>>
    %dma_start3A_681 = tpu.memref_squeeze %dma_start3A_680 : memref<1x128000xi32, #tpu.memory_space<vmem>> -> memref<128000xi32, #tpu.memory_space<vmem>>
    tpu.enqueue_dma source(%dma_start3A_681 : memref<128000xi32, #tpu.memory_space<vmem>>) target(%dma_start3A_678 : memref<128000xi32, #tpu.memory_space<hbm>>) target_semaphore(%dma_start3A_676 : memref<!tpu.dma_semaphore, #tpu.memory_space<semaphore_mem>>)
    %dma_wait3A_682 = arith.constant 7 : i32
    %dma_wait3A_683 = arith.constant 7 : i32
    %dma_wait3A_684 = tpu.memref_slice %arg4[%dma_wait3A_683] : memref<8x!tpu.dma_semaphore, #tpu.memory_space<semaphore_mem>> -> memref<1x!tpu.dma_semaphore, #tpu.memory_space<semaphore_mem>>
    %dma_wait3A_685 = tpu.memref_squeeze %dma_wait3A_684 : memref<1x!tpu.dma_semaphore, #tpu.memory_space<semaphore_mem>> -> memref<!tpu.dma_semaphore, #tpu.memory_space<semaphore_mem>>
    %dma_wait3A_686 = arith.constant 1920000 : i32
    %dma_wait3A_687 = tpu.memref_slice %arg1[%dma_wait3A_686] : memref<51200000xi32, #tpu.memory_space<hbm>> -> memref<128000xi32, #tpu.memory_space<hbm>>
    %dma_wait3A_688 = arith.constant 0 : i32
    %dma_wait3A_689 = tpu.memref_slice %arg2[%dma_wait3A_682, %dma_wait3A_688] : memref<8x128000xi32, #tpu.memory_space<vmem>> -> memref<1x128000xi32, #tpu.memory_space<vmem>>
    %dma_wait3A_690 = tpu.memref_squeeze %dma_wait3A_689 : memref<1x128000xi32, #tpu.memory_space<vmem>> -> memref<128000xi32, #tpu.memory_space<vmem>>
    tpu.wait_dma2 semaphore(%dma_wait3A_685 : memref<!tpu.dma_semaphore, #tpu.memory_space<semaphore_mem>>) src(%dma_wait3A_690 : memref<128000xi32, #tpu.memory_space<vmem>>) dst(%dma_wait3A_687 : memref<128000xi32, #tpu.memory_space<hbm>>)
    %dma_start3A_691 = arith.constant 7 : i32
    %dma_start3A_692 = arith.constant 7 : i32
    %dma_start3A_693 = tpu.memref_slice %arg3[%dma_start3A_692] : memref<8x!tpu.dma_semaphore, #tpu.memory_space<semaphore_mem>> -> memref<1x!tpu.dma_semaphore, #tpu.memory_space<semaphore_mem>>
    %dma_start3A_694 = tpu.memref_squeeze %dma_start3A_693 : memref<1x!tpu.dma_semaphore, #tpu.memory_space<semaphore_mem>> -> memref<!tpu.dma_semaphore, #tpu.memory_space<semaphore_mem>>
    %dma_start3A_695 = arith.constant 0 : i32
    %dma_start3A_696 = tpu.memref_slice %arg2[%dma_start3A_691, %dma_start3A_695] : memref<8x128000xi32, #tpu.memory_space<vmem>> -> memref<1x128000xi32, #tpu.memory_space<vmem>>
    %dma_start3A_697 = tpu.memref_squeeze %dma_start3A_696 : memref<1x128000xi32, #tpu.memory_space<vmem>> -> memref<128000xi32, #tpu.memory_space<vmem>>
    %dma_start3A_698 = arith.constant 2944000 : i32
    %dma_start3A_699 = tpu.memref_slice %arg0[%dma_start3A_698] : memref<51200000xi32, #tpu.memory_space<hbm>> -> memref<128000xi32, #tpu.memory_space<hbm>>
    tpu.enqueue_dma source(%dma_start3A_699 : memref<128000xi32, #tpu.memory_space<hbm>>) target(%dma_start3A_697 : memref<128000xi32, #tpu.memory_space<vmem>>) target_semaphore(%dma_start3A_694 : memref<!tpu.dma_semaphore, #tpu.memory_space<semaphore_mem>>)
    %dma_wait3A_700 = arith.constant 3 : i32
    %dma_wait3A_701 = arith.constant 3 : i32
    %dma_wait3A_702 = tpu.memref_slice %arg3[%dma_wait3A_701] : memref<8x!tpu.dma_semaphore, #tpu.memory_space<semaphore_mem>> -> memref<1x!tpu.dma_semaphore, #tpu.memory_space<semaphore_mem>>
    %dma_wait3A_703 = tpu.memref_squeeze %dma_wait3A_702 : memref<1x!tpu.dma_semaphore, #tpu.memory_space<semaphore_mem>> -> memref<!tpu.dma_semaphore, #tpu.memory_space<semaphore_mem>>
    %dma_wait3A_704 = arith.constant 0 : i32
    %dma_wait3A_705 = tpu.memref_slice %arg2[%dma_wait3A_700, %dma_wait3A_704] : memref<8x128000xi32, #tpu.memory_space<vmem>> -> memref<1x128000xi32, #tpu.memory_space<vmem>>
    %dma_wait3A_706 = tpu.memref_squeeze %dma_wait3A_705 : memref<1x128000xi32, #tpu.memory_space<vmem>> -> memref<128000xi32, #tpu.memory_space<vmem>>
    %dma_wait3A_707 = arith.constant 2432000 : i32
    %dma_wait3A_708 = tpu.memref_slice %arg0[%dma_wait3A_707] : memref<51200000xi32, #tpu.memory_space<hbm>> -> memref<128000xi32, #tpu.memory_space<hbm>>
    tpu.wait_dma2 semaphore(%dma_wait3A_703 : memref<!tpu.dma_semaphore, #tpu.memory_space<semaphore_mem>>) src(%dma_wait3A_708 : memref<128000xi32, #tpu.memory_space<hbm>>) dst(%dma_wait3A_706 : memref<128000xi32, #tpu.memory_space<vmem>>)
    %dma_start3A_709 = arith.constant 3 : i32
    %dma_start3A_710 = arith.constant 3 : i32
    %dma_start3A_711 = tpu.memref_slice %arg4[%dma_start3A_710] : memref<8x!tpu.dma_semaphore, #tpu.memory_space<semaphore_mem>> -> memref<1x!tpu.dma_semaphore, #tpu.memory_space<semaphore_mem>>
    %dma_start3A_712 = tpu.memref_squeeze %dma_start3A_711 : memref<1x!tpu.dma_semaphore, #tpu.memory_space<semaphore_mem>> -> memref<!tpu.dma_semaphore, #tpu.memory_space<semaphore_mem>>
    %dma_start3A_713 = arith.constant 2432000 : i32
    %dma_start3A_714 = tpu.memref_slice %arg1[%dma_start3A_713] : memref<51200000xi32, #tpu.memory_space<hbm>> -> memref<128000xi32, #tpu.memory_space<hbm>>
    %dma_start3A_715 = arith.constant 0 : i32
    %dma_start3A_716 = tpu.memref_slice %arg2[%dma_start3A_709, %dma_start3A_715] : memref<8x128000xi32, #tpu.memory_space<vmem>> -> memref<1x128000xi32, #tpu.memory_space<vmem>>
    %dma_start3A_717 = tpu.memref_squeeze %dma_start3A_716 : memref<1x128000xi32, #tpu.memory_space<vmem>> -> memref<128000xi32, #tpu.memory_space<vmem>>
    tpu.enqueue_dma source(%dma_start3A_717 : memref<128000xi32, #tpu.memory_space<vmem>>) target(%dma_start3A_714 : memref<128000xi32, #tpu.memory_space<hbm>>) target_semaphore(%dma_start3A_712 : memref<!tpu.dma_semaphore, #tpu.memory_space<semaphore_mem>>)
    %dma_wait3A_718 = arith.constant 0 : i32
    %dma_wait3A_719 = arith.constant 0 : i32
    %dma_wait3A_720 = tpu.memref_slice %arg4[%dma_wait3A_719] : memref<8x!tpu.dma_semaphore, #tpu.memory_space<semaphore_mem>> -> memref<1x!tpu.dma_semaphore, #tpu.memory_space<semaphore_mem>>
    %dma_wait3A_721 = tpu.memref_squeeze %dma_wait3A_720 : memref<1x!tpu.dma_semaphore, #tpu.memory_space<semaphore_mem>> -> memref<!tpu.dma_semaphore, #tpu.memory_space<semaphore_mem>>
    %dma_wait3A_722 = arith.constant 2048000 : i32
    %dma_wait3A_723 = tpu.memref_slice %arg1[%dma_wait3A_722] : memref<51200000xi32, #tpu.memory_space<hbm>> -> memref<128000xi32, #tpu.memory_space<hbm>>
    %dma_wait3A_724 = arith.constant 0 : i32
    %dma_wait3A_725 = tpu.memref_slice %arg2[%dma_wait3A_718, %dma_wait3A_724] : memref<8x128000xi32, #tpu.memory_space<vmem>> -> memref<1x128000xi32, #tpu.memory_space<vmem>>
    %dma_wait3A_726 = tpu.memref_squeeze %dma_wait3A_725 : memref<1x128000xi32, #tpu.memory_space<vmem>> -> memref<128000xi32, #tpu.memory_space<vmem>>
    tpu.wait_dma2 semaphore(%dma_wait3A_721 : memref<!tpu.dma_semaphore, #tpu.memory_space<semaphore_mem>>) src(%dma_wait3A_726 : memref<128000xi32, #tpu.memory_space<vmem>>) dst(%dma_wait3A_723 : memref<128000xi32, #tpu.memory_space<hbm>>)
    %dma_start3A_727 = arith.constant 0 : i32
    %dma_start3A_728 = arith.constant 0 : i32
    %dma_start3A_729 = tpu.memref_slice %arg3[%dma_start3A_728] : memref<8x!tpu.dma_semaphore, #tpu.memory_space<semaphore_mem>> -> memref<1x!tpu.dma_semaphore, #tpu.memory_space<semaphore_mem>>
    %dma_start3A_730 = tpu.memref_squeeze %dma_start3A_729 : memref<1x!tpu.dma_semaphore, #tpu.memory_space<semaphore_mem>> -> memref<!tpu.dma_semaphore, #tpu.memory_space<semaphore_mem>>
    %dma_start3A_731 = arith.constant 0 : i32
    %dma_start3A_732 = tpu.memref_slice %arg2[%dma_start3A_727, %dma_start3A_731] : memref<8x128000xi32, #tpu.memory_space<vmem>> -> memref<1x128000xi32, #tpu.memory_space<vmem>>
    %dma_start3A_733 = tpu.memref_squeeze %dma_start3A_732 : memref<1x128000xi32, #tpu.memory_space<vmem>> -> memref<128000xi32, #tpu.memory_space<vmem>>
    %dma_start3A_734 = arith.constant 3072000 : i32
    %dma_start3A_735 = tpu.memref_slice %arg0[%dma_start3A_734] : memref<51200000xi32, #tpu.memory_space<hbm>> -> memref<128000xi32, #tpu.memory_space<hbm>>
    tpu.enqueue_dma source(%dma_start3A_735 : memref<128000xi32, #tpu.memory_space<hbm>>) target(%dma_start3A_733 : memref<128000xi32, #tpu.memory_space<vmem>>) target_semaphore(%dma_start3A_730 : memref<!tpu.dma_semaphore, #tpu.memory_space<semaphore_mem>>)
    %dma_wait3A_736 = arith.constant 4 : i32
    %dma_wait3A_737 = arith.constant 4 : i32
    %dma_wait3A_738 = tpu.memref_slice %arg3[%dma_wait3A_737] : memref<8x!tpu.dma_semaphore, #tpu.memory_space<semaphore_mem>> -> memref<1x!tpu.dma_semaphore, #tpu.memory_space<semaphore_mem>>
    %dma_wait3A_739 = tpu.memref_squeeze %dma_wait3A_738 : memref<1x!tpu.dma_semaphore, #tpu.memory_space<semaphore_mem>> -> memref<!tpu.dma_semaphore, #tpu.memory_space<semaphore_mem>>
    %dma_wait3A_740 = arith.constant 0 : i32
    %dma_wait3A_741 = tpu.memref_slice %arg2[%dma_wait3A_736, %dma_wait3A_740] : memref<8x128000xi32, #tpu.memory_space<vmem>> -> memref<1x128000xi32, #tpu.memory_space<vmem>>
    %dma_wait3A_742 = tpu.memref_squeeze %dma_wait3A_741 : memref<1x128000xi32, #tpu.memory_space<vmem>> -> memref<128000xi32, #tpu.memory_space<vmem>>
    %dma_wait3A_743 = arith.constant 2560000 : i32
    %dma_wait3A_744 = tpu.memref_slice %arg0[%dma_wait3A_743] : memref<51200000xi32, #tpu.memory_space<hbm>> -> memref<128000xi32, #tpu.memory_space<hbm>>
    tpu.wait_dma2 semaphore(%dma_wait3A_739 : memref<!tpu.dma_semaphore, #tpu.memory_space<semaphore_mem>>) src(%dma_wait3A_744 : memref<128000xi32, #tpu.memory_space<hbm>>) dst(%dma_wait3A_742 : memref<128000xi32, #tpu.memory_space<vmem>>)
    %dma_start3A_745 = arith.constant 4 : i32
    %dma_start3A_746 = arith.constant 4 : i32
    %dma_start3A_747 = tpu.memref_slice %arg4[%dma_start3A_746] : memref<8x!tpu.dma_semaphore, #tpu.memory_space<semaphore_mem>> -> memref<1x!tpu.dma_semaphore, #tpu.memory_space<semaphore_mem>>
    %dma_start3A_748 = tpu.memref_squeeze %dma_start3A_747 : memref<1x!tpu.dma_semaphore, #tpu.memory_space<semaphore_mem>> -> memref<!tpu.dma_semaphore, #tpu.memory_space<semaphore_mem>>
    %dma_start3A_749 = arith.constant 2560000 : i32
    %dma_start3A_750 = tpu.memref_slice %arg1[%dma_start3A_749] : memref<51200000xi32, #tpu.memory_space<hbm>> -> memref<128000xi32, #tpu.memory_space<hbm>>
    %dma_start3A_751 = arith.constant 0 : i32
    %dma_start3A_752 = tpu.memref_slice %arg2[%dma_start3A_745, %dma_start3A_751] : memref<8x128000xi32, #tpu.memory_space<vmem>> -> memref<1x128000xi32, #tpu.memory_space<vmem>>
    %dma_start3A_753 = tpu.memref_squeeze %dma_start3A_752 : memref<1x128000xi32, #tpu.memory_space<vmem>> -> memref<128000xi32, #tpu.memory_space<vmem>>
    tpu.enqueue_dma source(%dma_start3A_753 : memref<128000xi32, #tpu.memory_space<vmem>>) target(%dma_start3A_750 : memref<128000xi32, #tpu.memory_space<hbm>>) target_semaphore(%dma_start3A_748 : memref<!tpu.dma_semaphore, #tpu.memory_space<semaphore_mem>>)
    %dma_wait3A_754 = arith.constant 5 : i32
    %dma_wait3A_755 = arith.constant 5 : i32
    %dma_wait3A_756 = tpu.memref_slice %arg3[%dma_wait3A_755] : memref<8x!tpu.dma_semaphore, #tpu.memory_space<semaphore_mem>> -> memref<1x!tpu.dma_semaphore, #tpu.memory_space<semaphore_mem>>
    %dma_wait3A_757 = tpu.memref_squeeze %dma_wait3A_756 : memref<1x!tpu.dma_semaphore, #tpu.memory_space<semaphore_mem>> -> memref<!tpu.dma_semaphore, #tpu.memory_space<semaphore_mem>>
    %dma_wait3A_758 = arith.constant 0 : i32
    %dma_wait3A_759 = tpu.memref_slice %arg2[%dma_wait3A_754, %dma_wait3A_758] : memref<8x128000xi32, #tpu.memory_space<vmem>> -> memref<1x128000xi32, #tpu.memory_space<vmem>>
    %dma_wait3A_760 = tpu.memref_squeeze %dma_wait3A_759 : memref<1x128000xi32, #tpu.memory_space<vmem>> -> memref<128000xi32, #tpu.memory_space<vmem>>
    %dma_wait3A_761 = arith.constant 2688000 : i32
    %dma_wait3A_762 = tpu.memref_slice %arg0[%dma_wait3A_761] : memref<51200000xi32, #tpu.memory_space<hbm>> -> memref<128000xi32, #tpu.memory_space<hbm>>
    tpu.wait_dma2 semaphore(%dma_wait3A_757 : memref<!tpu.dma_semaphore, #tpu.memory_space<semaphore_mem>>) src(%dma_wait3A_762 : memref<128000xi32, #tpu.memory_space<hbm>>) dst(%dma_wait3A_760 : memref<128000xi32, #tpu.memory_space<vmem>>)
    %dma_start3A_763 = arith.constant 5 : i32
    %dma_start3A_764 = arith.constant 5 : i32
    %dma_start3A_765 = tpu.memref_slice %arg4[%dma_start3A_764] : memref<8x!tpu.dma_semaphore, #tpu.memory_space<semaphore_mem>> -> memref<1x!tpu.dma_semaphore, #tpu.memory_space<semaphore_mem>>
    %dma_start3A_766 = tpu.memref_squeeze %dma_start3A_765 : memref<1x!tpu.dma_semaphore, #tpu.memory_space<semaphore_mem>> -> memref<!tpu.dma_semaphore, #tpu.memory_space<semaphore_mem>>
    %dma_start3A_767 = arith.constant 2688000 : i32
    %dma_start3A_768 = tpu.memref_slice %arg1[%dma_start3A_767] : memref<51200000xi32, #tpu.memory_space<hbm>> -> memref<128000xi32, #tpu.memory_space<hbm>>
    %dma_start3A_769 = arith.constant 0 : i32
    %dma_start3A_770 = tpu.memref_slice %arg2[%dma_start3A_763, %dma_start3A_769] : memref<8x128000xi32, #tpu.memory_space<vmem>> -> memref<1x128000xi32, #tpu.memory_space<vmem>>
    %dma_start3A_771 = tpu.memref_squeeze %dma_start3A_770 : memref<1x128000xi32, #tpu.memory_space<vmem>> -> memref<128000xi32, #tpu.memory_space<vmem>>
    tpu.enqueue_dma source(%dma_start3A_771 : memref<128000xi32, #tpu.memory_space<vmem>>) target(%dma_start3A_768 : memref<128000xi32, #tpu.memory_space<hbm>>) target_semaphore(%dma_start3A_766 : memref<!tpu.dma_semaphore, #tpu.memory_space<semaphore_mem>>)
    %dma_wait3A_772 = arith.constant 6 : i32
    %dma_wait3A_773 = arith.constant 6 : i32
    %dma_wait3A_774 = tpu.memref_slice %arg3[%dma_wait3A_773] : memref<8x!tpu.dma_semaphore, #tpu.memory_space<semaphore_mem>> -> memref<1x!tpu.dma_semaphore, #tpu.memory_space<semaphore_mem>>
    %dma_wait3A_775 = tpu.memref_squeeze %dma_wait3A_774 : memref<1x!tpu.dma_semaphore, #tpu.memory_space<semaphore_mem>> -> memref<!tpu.dma_semaphore, #tpu.memory_space<semaphore_mem>>
    %dma_wait3A_776 = arith.constant 0 : i32
    %dma_wait3A_777 = tpu.memref_slice %arg2[%dma_wait3A_772, %dma_wait3A_776] : memref<8x128000xi32, #tpu.memory_space<vmem>> -> memref<1x128000xi32, #tpu.memory_space<vmem>>
    %dma_wait3A_778 = tpu.memref_squeeze %dma_wait3A_777 : memref<1x128000xi32, #tpu.memory_space<vmem>> -> memref<128000xi32, #tpu.memory_space<vmem>>
    %dma_wait3A_779 = arith.constant 2816000 : i32
    %dma_wait3A_780 = tpu.memref_slice %arg0[%dma_wait3A_779] : memref<51200000xi32, #tpu.memory_space<hbm>> -> memref<128000xi32, #tpu.memory_space<hbm>>
    tpu.wait_dma2 semaphore(%dma_wait3A_775 : memref<!tpu.dma_semaphore, #tpu.memory_space<semaphore_mem>>) src(%dma_wait3A_780 : memref<128000xi32, #tpu.memory_space<hbm>>) dst(%dma_wait3A_778 : memref<128000xi32, #tpu.memory_space<vmem>>)
    %dma_start3A_781 = arith.constant 6 : i32
    %dma_start3A_782 = arith.constant 6 : i32
    %dma_start3A_783 = tpu.memref_slice %arg4[%dma_start3A_782] : memref<8x!tpu.dma_semaphore, #tpu.memory_space<semaphore_mem>> -> memref<1x!tpu.dma_semaphore, #tpu.memory_space<semaphore_mem>>
    %dma_start3A_784 = tpu.memref_squeeze %dma_start3A_783 : memref<1x!tpu.dma_semaphore, #tpu.memory_space<semaphore_mem>> -> memref<!tpu.dma_semaphore, #tpu.memory_space<semaphore_mem>>
    %dma_start3A_785 = arith.constant 2816000 : i32
    %dma_start3A_786 = tpu.memref_slice %arg1[%dma_start3A_785] : memref<51200000xi32, #tpu.memory_space<hbm>> -> memref<128000xi32, #tpu.memory_space<hbm>>
    %dma_start3A_787 = arith.constant 0 : i32
    %dma_start3A_788 = tpu.memref_slice %arg2[%dma_start3A_781, %dma_start3A_787] : memref<8x128000xi32, #tpu.memory_space<vmem>> -> memref<1x128000xi32, #tpu.memory_space<vmem>>
    %dma_start3A_789 = tpu.memref_squeeze %dma_start3A_788 : memref<1x128000xi32, #tpu.memory_space<vmem>> -> memref<128000xi32, #tpu.memory_space<vmem>>
    tpu.enqueue_dma source(%dma_start3A_789 : memref<128000xi32, #tpu.memory_space<vmem>>) target(%dma_start3A_786 : memref<128000xi32, #tpu.memory_space<hbm>>) target_semaphore(%dma_start3A_784 : memref<!tpu.dma_semaphore, #tpu.memory_space<semaphore_mem>>)
    %dma_wait3A_790 = arith.constant 7 : i32
    %dma_wait3A_791 = arith.constant 7 : i32
    %dma_wait3A_792 = tpu.memref_slice %arg3[%dma_wait3A_791] : memref<8x!tpu.dma_semaphore, #tpu.memory_space<semaphore_mem>> -> memref<1x!tpu.dma_semaphore, #tpu.memory_space<semaphore_mem>>
    %dma_wait3A_793 = tpu.memref_squeeze %dma_wait3A_792 : memref<1x!tpu.dma_semaphore, #tpu.memory_space<semaphore_mem>> -> memref<!tpu.dma_semaphore, #tpu.memory_space<semaphore_mem>>
    %dma_wait3A_794 = arith.constant 0 : i32
    %dma_wait3A_795 = tpu.memref_slice %arg2[%dma_wait3A_790, %dma_wait3A_794] : memref<8x128000xi32, #tpu.memory_space<vmem>> -> memref<1x128000xi32, #tpu.memory_space<vmem>>
    %dma_wait3A_796 = tpu.memref_squeeze %dma_wait3A_795 : memref<1x128000xi32, #tpu.memory_space<vmem>> -> memref<128000xi32, #tpu.memory_space<vmem>>
    %dma_wait3A_797 = arith.constant 2944000 : i32
    %dma_wait3A_798 = tpu.memref_slice %arg0[%dma_wait3A_797] : memref<51200000xi32, #tpu.memory_space<hbm>> -> memref<128000xi32, #tpu.memory_space<hbm>>
    tpu.wait_dma2 semaphore(%dma_wait3A_793 : memref<!tpu.dma_semaphore, #tpu.memory_space<semaphore_mem>>) src(%dma_wait3A_798 : memref<128000xi32, #tpu.memory_space<hbm>>) dst(%dma_wait3A_796 : memref<128000xi32, #tpu.memory_space<vmem>>)
    %dma_start3A_799 = arith.constant 7 : i32
    %dma_start3A_800 = arith.constant 7 : i32
    %dma_start3A_801 = tpu.memref_slice %arg4[%dma_start3A_800] : memref<8x!tpu.dma_semaphore, #tpu.memory_space<semaphore_mem>> -> memref<1x!tpu.dma_semaphore, #tpu.memory_space<semaphore_mem>>
    %dma_start3A_802 = tpu.memref_squeeze %dma_start3A_801 : memref<1x!tpu.dma_semaphore, #tpu.memory_space<semaphore_mem>> -> memref<!tpu.dma_semaphore, #tpu.memory_space<semaphore_mem>>
    %dma_start3A_803 = arith.constant 2944000 : i32
    %dma_start3A_804 = tpu.memref_slice %arg1[%dma_start3A_803] : memref<51200000xi32, #tpu.memory_space<hbm>> -> memref<128000xi32, #tpu.memory_space<hbm>>
    %dma_start3A_805 = arith.constant 0 : i32
    %dma_start3A_806 = tpu.memref_slice %arg2[%dma_start3A_799, %dma_start3A_805] : memref<8x128000xi32, #tpu.memory_space<vmem>> -> memref<1x128000xi32, #tpu.memory_space<vmem>>
    %dma_start3A_807 = tpu.memref_squeeze %dma_start3A_806 : memref<1x128000xi32, #tpu.memory_space<vmem>> -> memref<128000xi32, #tpu.memory_space<vmem>>
    tpu.enqueue_dma source(%dma_start3A_807 : memref<128000xi32, #tpu.memory_space<vmem>>) target(%dma_start3A_804 : memref<128000xi32, #tpu.memory_space<hbm>>) target_semaphore(%dma_start3A_802 : memref<!tpu.dma_semaphore, #tpu.memory_space<semaphore_mem>>)
    %dma_wait3A_808 = arith.constant 0 : i32
    %dma_wait3A_809 = arith.constant 0 : i32
    %dma_wait3A_810 = tpu.memref_slice %arg3[%dma_wait3A_809] : memref<8x!tpu.dma_semaphore, #tpu.memory_space<semaphore_mem>> -> memref<1x!tpu.dma_semaphore, #tpu.memory_space<semaphore_mem>>
    %dma_wait3A_811 = tpu.memref_squeeze %dma_wait3A_810 : memref<1x!tpu.dma_semaphore, #tpu.memory_space<semaphore_mem>> -> memref<!tpu.dma_semaphore, #tpu.memory_space<semaphore_mem>>
    %dma_wait3A_812 = arith.constant 0 : i32
    %dma_wait3A_813 = tpu.memref_slice %arg2[%dma_wait3A_808, %dma_wait3A_812] : memref<8x128000xi32, #tpu.memory_space<vmem>> -> memref<1x128000xi32, #tpu.memory_space<vmem>>
    %dma_wait3A_814 = tpu.memref_squeeze %dma_wait3A_813 : memref<1x128000xi32, #tpu.memory_space<vmem>> -> memref<128000xi32, #tpu.memory_space<vmem>>
    %dma_wait3A_815 = arith.constant 3072000 : i32
    %dma_wait3A_816 = tpu.memref_slice %arg0[%dma_wait3A_815] : memref<51200000xi32, #tpu.memory_space<hbm>> -> memref<128000xi32, #tpu.memory_space<hbm>>
    tpu.wait_dma2 semaphore(%dma_wait3A_811 : memref<!tpu.dma_semaphore, #tpu.memory_space<semaphore_mem>>) src(%dma_wait3A_816 : memref<128000xi32, #tpu.memory_space<hbm>>) dst(%dma_wait3A_814 : memref<128000xi32, #tpu.memory_space<vmem>>)
    %dma_start3A_817 = arith.constant 0 : i32
    %dma_start3A_818 = arith.constant 0 : i32
    %dma_start3A_819 = tpu.memref_slice %arg4[%dma_start3A_818] : memref<8x!tpu.dma_semaphore, #tpu.memory_space<semaphore_mem>> -> memref<1x!tpu.dma_semaphore, #tpu.memory_space<semaphore_mem>>
    %dma_start3A_820 = tpu.memref_squeeze %dma_start3A_819 : memref<1x!tpu.dma_semaphore, #tpu.memory_space<semaphore_mem>> -> memref<!tpu.dma_semaphore, #tpu.memory_space<semaphore_mem>>
    %dma_start3A_821 = arith.constant 3072000 : i32
    %dma_start3A_822 = tpu.memref_slice %arg1[%dma_start3A_821] : memref<51200000xi32, #tpu.memory_space<hbm>> -> memref<128000xi32, #tpu.memory_space<hbm>>
    %dma_start3A_823 = arith.constant 0 : i32
    %dma_start3A_824 = tpu.memref_slice %arg2[%dma_start3A_817, %dma_start3A_823] : memref<8x128000xi32, #tpu.memory_space<vmem>> -> memref<1x128000xi32, #tpu.memory_space<vmem>>
    %dma_start3A_825 = tpu.memref_squeeze %dma_start3A_824 : memref<1x128000xi32, #tpu.memory_space<vmem>> -> memref<128000xi32, #tpu.memory_space<vmem>>
    tpu.enqueue_dma source(%dma_start3A_825 : memref<128000xi32, #tpu.memory_space<vmem>>) target(%dma_start3A_822 : memref<128000xi32, #tpu.memory_space<hbm>>) target_semaphore(%dma_start3A_820 : memref<!tpu.dma_semaphore, #tpu.memory_space<semaphore_mem>>)
    %dma_wait3A_826 = arith.constant 1 : i32
    %dma_wait3A_827 = arith.constant 1 : i32
    %dma_wait3A_828 = tpu.memref_slice %arg4[%dma_wait3A_827] : memref<8x!tpu.dma_semaphore, #tpu.memory_space<semaphore_mem>> -> memref<1x!tpu.dma_semaphore, #tpu.memory_space<semaphore_mem>>
    %dma_wait3A_829 = tpu.memref_squeeze %dma_wait3A_828 : memref<1x!tpu.dma_semaphore, #tpu.memory_space<semaphore_mem>> -> memref<!tpu.dma_semaphore, #tpu.memory_space<semaphore_mem>>
    %dma_wait3A_830 = arith.constant 2176000 : i32
    %dma_wait3A_831 = tpu.memref_slice %arg1[%dma_wait3A_830] : memref<51200000xi32, #tpu.memory_space<hbm>> -> memref<128000xi32, #tpu.memory_space<hbm>>
    %dma_wait3A_832 = arith.constant 0 : i32
    %dma_wait3A_833 = tpu.memref_slice %arg2[%dma_wait3A_826, %dma_wait3A_832] : memref<8x128000xi32, #tpu.memory_space<vmem>> -> memref<1x128000xi32, #tpu.memory_space<vmem>>
    %dma_wait3A_834 = tpu.memref_squeeze %dma_wait3A_833 : memref<1x128000xi32, #tpu.memory_space<vmem>> -> memref<128000xi32, #tpu.memory_space<vmem>>
    tpu.wait_dma2 semaphore(%dma_wait3A_829 : memref<!tpu.dma_semaphore, #tpu.memory_space<semaphore_mem>>) src(%dma_wait3A_834 : memref<128000xi32, #tpu.memory_space<vmem>>) dst(%dma_wait3A_831 : memref<128000xi32, #tpu.memory_space<hbm>>)
    %dma_wait3A_835 = arith.constant 2 : i32
    %dma_wait3A_836 = arith.constant 2 : i32
    %dma_wait3A_837 = tpu.memref_slice %arg4[%dma_wait3A_836] : memref<8x!tpu.dma_semaphore, #tpu.memory_space<semaphore_mem>> -> memref<1x!tpu.dma_semaphore, #tpu.memory_space<semaphore_mem>>
    %dma_wait3A_838 = tpu.memref_squeeze %dma_wait3A_837 : memref<1x!tpu.dma_semaphore, #tpu.memory_space<semaphore_mem>> -> memref<!tpu.dma_semaphore, #tpu.memory_space<semaphore_mem>>
    %dma_wait3A_839 = arith.constant 2304000 : i32
    %dma_wait3A_840 = tpu.memref_slice %arg1[%dma_wait3A_839] : memref<51200000xi32, #tpu.memory_space<hbm>> -> memref<128000xi32, #tpu.memory_space<hbm>>
    %dma_wait3A_841 = arith.constant 0 : i32
    %dma_wait3A_842 = tpu.memref_slice %arg2[%dma_wait3A_835, %dma_wait3A_841] : memref<8x128000xi32, #tpu.memory_space<vmem>> -> memref<1x128000xi32, #tpu.memory_space<vmem>>
    %dma_wait3A_843 = tpu.memref_squeeze %dma_wait3A_842 : memref<1x128000xi32, #tpu.memory_space<vmem>> -> memref<128000xi32, #tpu.memory_space<vmem>>
    tpu.wait_dma2 semaphore(%dma_wait3A_838 : memref<!tpu.dma_semaphore, #tpu.memory_space<semaphore_mem>>) src(%dma_wait3A_843 : memref<128000xi32, #tpu.memory_space<vmem>>) dst(%dma_wait3A_840 : memref<128000xi32, #tpu.memory_space<hbm>>)
    %dma_wait3A_844 = arith.constant 3 : i32
    %dma_wait3A_845 = arith.constant 3 : i32
    %dma_wait3A_846 = tpu.memref_slice %arg4[%dma_wait3A_845] : memref<8x!tpu.dma_semaphore, #tpu.memory_space<semaphore_mem>> -> memref<1x!tpu.dma_semaphore, #tpu.memory_space<semaphore_mem>>
    %dma_wait3A_847 = tpu.memref_squeeze %dma_wait3A_846 : memref<1x!tpu.dma_semaphore, #tpu.memory_space<semaphore_mem>> -> memref<!tpu.dma_semaphore, #tpu.memory_space<semaphore_mem>>
    %dma_wait3A_848 = arith.constant 2432000 : i32
    %dma_wait3A_849 = tpu.memref_slice %arg1[%dma_wait3A_848] : memref<51200000xi32, #tpu.memory_space<hbm>> -> memref<128000xi32, #tpu.memory_space<hbm>>
    %dma_wait3A_850 = arith.constant 0 : i32
    %dma_wait3A_851 = tpu.memref_slice %arg2[%dma_wait3A_844, %dma_wait3A_850] : memref<8x128000xi32, #tpu.memory_space<vmem>> -> memref<1x128000xi32, #tpu.memory_space<vmem>>
    %dma_wait3A_852 = tpu.memref_squeeze %dma_wait3A_851 : memref<1x128000xi32, #tpu.memory_space<vmem>> -> memref<128000xi32, #tpu.memory_space<vmem>>
    tpu.wait_dma2 semaphore(%dma_wait3A_847 : memref<!tpu.dma_semaphore, #tpu.memory_space<semaphore_mem>>) src(%dma_wait3A_852 : memref<128000xi32, #tpu.memory_space<vmem>>) dst(%dma_wait3A_849 : memref<128000xi32, #tpu.memory_space<hbm>>)
    %dma_wait3A_853 = arith.constant 4 : i32
    %dma_wait3A_854 = arith.constant 4 : i32
    %dma_wait3A_855 = tpu.memref_slice %arg4[%dma_wait3A_854] : memref<8x!tpu.dma_semaphore, #tpu.memory_space<semaphore_mem>> -> memref<1x!tpu.dma_semaphore, #tpu.memory_space<semaphore_mem>>
    %dma_wait3A_856 = tpu.memref_squeeze %dma_wait3A_855 : memref<1x!tpu.dma_semaphore, #tpu.memory_space<semaphore_mem>> -> memref<!tpu.dma_semaphore, #tpu.memory_space<semaphore_mem>>
    %dma_wait3A_857 = arith.constant 2560000 : i32
    %dma_wait3A_858 = tpu.memref_slice %arg1[%dma_wait3A_857] : memref<51200000xi32, #tpu.memory_space<hbm>> -> memref<128000xi32, #tpu.memory_space<hbm>>
    %dma_wait3A_859 = arith.constant 0 : i32
    %dma_wait3A_860 = tpu.memref_slice %arg2[%dma_wait3A_853, %dma_wait3A_859] : memref<8x128000xi32, #tpu.memory_space<vmem>> -> memref<1x128000xi32, #tpu.memory_space<vmem>>
    %dma_wait3A_861 = tpu.memref_squeeze %dma_wait3A_860 : memref<1x128000xi32, #tpu.memory_space<vmem>> -> memref<128000xi32, #tpu.memory_space<vmem>>
    tpu.wait_dma2 semaphore(%dma_wait3A_856 : memref<!tpu.dma_semaphore, #tpu.memory_space<semaphore_mem>>) src(%dma_wait3A_861 : memref<128000xi32, #tpu.memory_space<vmem>>) dst(%dma_wait3A_858 : memref<128000xi32, #tpu.memory_space<hbm>>)
    %dma_wait3A_862 = arith.constant 5 : i32
    %dma_wait3A_863 = arith.constant 5 : i32
    %dma_wait3A_864 = tpu.memref_slice %arg4[%dma_wait3A_863] : memref<8x!tpu.dma_semaphore, #tpu.memory_space<semaphore_mem>> -> memref<1x!tpu.dma_semaphore, #tpu.memory_space<semaphore_mem>>
    %dma_wait3A_865 = tpu.memref_squeeze %dma_wait3A_864 : memref<1x!tpu.dma_semaphore, #tpu.memory_space<semaphore_mem>> -> memref<!tpu.dma_semaphore, #tpu.memory_space<semaphore_mem>>
    %dma_wait3A_866 = arith.constant 2688000 : i32
    %dma_wait3A_867 = tpu.memref_slice %arg1[%dma_wait3A_866] : memref<51200000xi32, #tpu.memory_space<hbm>> -> memref<128000xi32, #tpu.memory_space<hbm>>
    %dma_wait3A_868 = arith.constant 0 : i32
    %dma_wait3A_869 = tpu.memref_slice %arg2[%dma_wait3A_862, %dma_wait3A_868] : memref<8x128000xi32, #tpu.memory_space<vmem>> -> memref<1x128000xi32, #tpu.memory_space<vmem>>
    %dma_wait3A_870 = tpu.memref_squeeze %dma_wait3A_869 : memref<1x128000xi32, #tpu.memory_space<vmem>> -> memref<128000xi32, #tpu.memory_space<vmem>>
    tpu.wait_dma2 semaphore(%dma_wait3A_865 : memref<!tpu.dma_semaphore, #tpu.memory_space<semaphore_mem>>) src(%dma_wait3A_870 : memref<128000xi32, #tpu.memory_space<vmem>>) dst(%dma_wait3A_867 : memref<128000xi32, #tpu.memory_space<hbm>>)
    %dma_wait3A_871 = arith.constant 6 : i32
    %dma_wait3A_872 = arith.constant 6 : i32
    %dma_wait3A_873 = tpu.memref_slice %arg4[%dma_wait3A_872] : memref<8x!tpu.dma_semaphore, #tpu.memory_space<semaphore_mem>> -> memref<1x!tpu.dma_semaphore, #tpu.memory_space<semaphore_mem>>
    %dma_wait3A_874 = tpu.memref_squeeze %dma_wait3A_873 : memref<1x!tpu.dma_semaphore, #tpu.memory_space<semaphore_mem>> -> memref<!tpu.dma_semaphore, #tpu.memory_space<semaphore_mem>>
    %dma_wait3A_875 = arith.constant 2816000 : i32
    %dma_wait3A_876 = tpu.memref_slice %arg1[%dma_wait3A_875] : memref<51200000xi32, #tpu.memory_space<hbm>> -> memref<128000xi32, #tpu.memory_space<hbm>>
    %dma_wait3A_877 = arith.constant 0 : i32
    %dma_wait3A_878 = tpu.memref_slice %arg2[%dma_wait3A_871, %dma_wait3A_877] : memref<8x128000xi32, #tpu.memory_space<vmem>> -> memref<1x128000xi32, #tpu.memory_space<vmem>>
    %dma_wait3A_879 = tpu.memref_squeeze %dma_wait3A_878 : memref<1x128000xi32, #tpu.memory_space<vmem>> -> memref<128000xi32, #tpu.memory_space<vmem>>
    tpu.wait_dma2 semaphore(%dma_wait3A_874 : memref<!tpu.dma_semaphore, #tpu.memory_space<semaphore_mem>>) src(%dma_wait3A_879 : memref<128000xi32, #tpu.memory_space<vmem>>) dst(%dma_wait3A_876 : memref<128000xi32, #tpu.memory_space<hbm>>)
    %dma_wait3A_880 = arith.constant 7 : i32
    %dma_wait3A_881 = arith.constant 7 : i32
    %dma_wait3A_882 = tpu.memref_slice %arg4[%dma_wait3A_881] : memref<8x!tpu.dma_semaphore, #tpu.memory_space<semaphore_mem>> -> memref<1x!tpu.dma_semaphore, #tpu.memory_space<semaphore_mem>>
    %dma_wait3A_883 = tpu.memref_squeeze %dma_wait3A_882 : memref<1x!tpu.dma_semaphore, #tpu.memory_space<semaphore_mem>> -> memref<!tpu.dma_semaphore, #tpu.memory_space<semaphore_mem>>
    %dma_wait3A_884 = arith.constant 2944000 : i32
    %dma_wait3A_885 = tpu.memref_slice %arg1[%dma_wait3A_884] : memref<51200000xi32, #tpu.memory_space<hbm>> -> memref<128000xi32, #tpu.memory_space<hbm>>
    %dma_wait3A_886 = arith.constant 0 : i32
    %dma_wait3A_887 = tpu.memref_slice %arg2[%dma_wait3A_880, %dma_wait3A_886] : memref<8x128000xi32, #tpu.memory_space<vmem>> -> memref<1x128000xi32, #tpu.memory_space<vmem>>
    %dma_wait3A_888 = tpu.memref_squeeze %dma_wait3A_887 : memref<1x128000xi32, #tpu.memory_space<vmem>> -> memref<128000xi32, #tpu.memory_space<vmem>>
    tpu.wait_dma2 semaphore(%dma_wait3A_883 : memref<!tpu.dma_semaphore, #tpu.memory_space<semaphore_mem>>) src(%dma_wait3A_888 : memref<128000xi32, #tpu.memory_space<vmem>>) dst(%dma_wait3A_885 : memref<128000xi32, #tpu.memory_space<hbm>>)
    %dma_wait3A_889 = arith.constant 0 : i32
    %dma_wait3A_890 = arith.constant 0 : i32
    %dma_wait3A_891 = tpu.memref_slice %arg4[%dma_wait3A_890] : memref<8x!tpu.dma_semaphore, #tpu.memory_space<semaphore_mem>> -> memref<1x!tpu.dma_semaphore, #tpu.memory_space<semaphore_mem>>
    %dma_wait3A_892 = tpu.memref_squeeze %dma_wait3A_891 : memref<1x!tpu.dma_semaphore, #tpu.memory_space<semaphore_mem>> -> memref<!tpu.dma_semaphore, #tpu.memory_space<semaphore_mem>>
    %dma_wait3A_893 = arith.constant 3072000 : i32
    %dma_wait3A_894 = tpu.memref_slice %arg1[%dma_wait3A_893] : memref<51200000xi32, #tpu.memory_space<hbm>> -> memref<128000xi32, #tpu.memory_space<hbm>>
    %dma_wait3A_895 = arith.constant 0 : i32
    %dma_wait3A_896 = tpu.memref_slice %arg2[%dma_wait3A_889, %dma_wait3A_895] : memref<8x128000xi32, #tpu.memory_space<vmem>> -> memref<1x128000xi32, #tpu.memory_space<vmem>>
    %dma_wait3A_897 = tpu.memref_squeeze %dma_wait3A_896 : memref<1x128000xi32, #tpu.memory_space<vmem>> -> memref<128000xi32, #tpu.memory_space<vmem>>
    tpu.wait_dma2 semaphore(%dma_wait3A_892 : memref<!tpu.dma_semaphore, #tpu.memory_space<semaphore_mem>>) src(%dma_wait3A_897 : memref<128000xi32, #tpu.memory_space<vmem>>) dst(%dma_wait3A_894 : memref<128000xi32, #tpu.memory_space<hbm>>)
    return
  }
}

</mosaic_0001>

<sc_bundles>
// kernel: kernel.4.cloned.1.call-start
scs
__scs_entry_jumppad:
0x0: {  	(pc) =	sbr.rel $0x88, $3  }
0x1: {  	(tag) =	ssettag $0x0;
	lr =	simm.s32 $0x1  }
0x2: {  	[smem:$0x3F9E] =	sst lr;
	_ =	strace $0xD0000000  }
0x3: {  	_ = 	snop  }
0x4: {  	_ = 	snop  }
0x5: {  	_ = 	snop  }
0x6: {  	_ = 	snop  }
0x7: {  	_ = 	snop  }
__scs_overlays_trampoline_lowered:
0x8: {  	[smem:$0x3FAD] =	sst s0  }
0x9: {  	[smem:$0x3FAE] =	sst s1  }
0xa: {  	[smem:$0x3FAF] =	sst s2  }
0xb: {  	[smem:$0x3FB0] =	sst s3  }
0xc: {  	[smem:$0x3FB1] =	sst s4  }
0xd: {  	[smem:$0x3FB2] =	sst s5  }
0xe: {  	[smem:$0x3FB3] =	sst s6  }
0xf: {  	[smem:$0x3FB4] =	sst s7  }
0x10: {  	[smem:$0x3FB5] =	sst s8  }
0x11: {  	[smem:$0x3FB6] =	sst s9;
	s0 =	simm.s32 @!p0 $0x0  }
0x12: {  	s1 =	sld [smem:$0x3F9C];
	s0 =	simm.s32 @p0 $0x1  }
0x13: {  	[smem:$0x3FB7] =	sst s0;
	s0 =	simm.s32 @!p1 $0x0  }
0x14: {  	s2 =	sld [smem:$0x3F9B];
	s0 =	simm.s32 @p1 $0x1  }
0x15: {  	[smem:$0x3FB8] =	sst s0;
	s0 =	simm.s32 @!p2 $0x0  }
0x16: {  	s3 =	sld [smem:$0x3FDB];
	s0 =	simm.s32 @p2 $0x1  }
0x17: {  	s4 =	simm.s32 $0x1BF5;
	[smem:$0x3FBA] =	sst s0  }
0x18: {  	s0 =	sld [smem:$0x3F9D];
	_ =	swait.ge [sflag:s4], $0x0  }
0x19: {  	s7 =	sld [smem:$0x3F9E]  }
0x1a: {  	s8 =	sadd.s32 $0xFFFFE003, lr  }
0x1b: {  	s9 =	sadd.s32 $0xFFFFFEF7, lr;
	s5 =	simm.s32 $0xFFFFFFFF;
	p2 =	slt.u32 s8, $0xFFFFF086  }
0x1c: {  	p1 =	slt.u32 s9, $0xF7A;
	s5 =	simm.s32 @!p2 $0x0  }
0x1d: {  	s5 =	simm.s32 @p1 $0x1;
	p0 =	seq.s32 s7, s2  }
0x1e: {  	s7 =	smul.u32 @!p0 $0xF7A, s2;
	p2 =	seq.s32 @!p0 s5, $0x0  }
0x1f: {  	s9 =	smul.u32 $0xF7A, s1;
	s8 =	simm.s32 @!p0 $0x1BF5;
	p2 =	por !p2, p0  }
0x20: {  	[sflag:s8] =	ssyncset.s32 @!p0 $0xFFFFF086;
	s6 =	sadd.s32 @!p0 s3, s7;
	s7 =	simm.s32 @!p0 $0x108  }
0x21: {  	s3 =	sadd.s32 s3, s9;
	s6 =	sadd.s32 @!p0 $0x88, s6;
	s7 =	simm.s32 @p2 $0x1082  }
0x22: {  	[simem:s7], [sflag:s8] =	dma.local @!p0 [hbm:s6], $0xF7A  }
0x23: {  	s9 =	sor.u32 $0xD0000000, s2;
	s6 =	simm.s32 $0x108;
	_ =	swait.ge @!p0 [sflag:s8], $0x0  }
0x24: {  	s3 =	sadd.s32 $0x88, s3;
	s6 =	simm.s32 @!p1 $0x1082;
	[sflag:s4] =	ssyncset.s32 $0xFFFFF086  }
0x25: {  	[simem:s6], [sflag:s4] =	dma.local [hbm:s3], $0xF7A  }
0x26: {  	[smem:$0x3F9E] =	sst s1;
	(tag) =	ssettag s2;
	_ =	strace s9  }
0x27: {  	s1 =	sld [smem:$0x3FAE]  }
0x28: {  	s2 =	sld [smem:$0x3FAF]  }
0x29: {  	s4 =	sld [smem:$0x3FB1]  }
0x2a: {  	p0 =	seq.s32 s5, $0x0;
	s5 =	sld [smem:$0x3FB2]  }
0x2b: {  	s6 =	sld [smem:$0x3FB3]  }
0x2c: {  	s7 =	sld [smem:$0x3FB4]  }
0x2d: {  	s3 =	simm.s32 $0x108;
	s8 =	sld [smem:$0x3FB5]  }
0x2e: {  	s3 =	simm.s32 @!p0 $0x1082;
	s9 =	sld [smem:$0x3FB6]  }
0x2f: {  	lr =	sadd.s32 s0, s3;
	s0 =	sld [smem:$0x3FAD]  }
0x30: {  	s3 =	sld [smem:$0x3FB0]  }
0x31: {  	[smem:$0x3FB9] =	sst s10  }
0x32: {  	s10 =	sld [smem:$0x3FB7];
	_ =	sdelay $0x3  }
0x33: {  	p0 =	seq.s32 s10, $0x1;
	s10 =	sld [smem:$0x3FB9];
	_ =	sdelay $0x3  }
0x34: {  	[smem:$0x3FB9] =	sst s10  }
0x35: {  	s10 =	sld [smem:$0x3FB8];
	_ =	sdelay $0x3  }
0x36: {  	p1 =	seq.s32 s10, $0x1;
	s10 =	sld [smem:$0x3FB9];
	_ =	sdelay $0x3  }
0x37: {  	[smem:$0x3FB9] =	sst s10  }
0x38: {  	s10 =	sld [smem:$0x3FBA]  }
0x39: {  	_ = 	snop;
	(pc) =	sbr.ind lr, $3  }
0x3a: {  	_ = 	snop  }
0x3b: {  	_ = 	snop  }
0x3c: {  	p2 =	seq.s32 s10, $0x1;
	s10 =	sld [smem:$0x3FB9]  }
0x3d: {  	_ =	shalt  }
0x3e: {  	_ =	shalt  }
0x3f: {  	_ =	shalt  }
0x40: {  	_ =	shalt  }
0x41: {  	_ =	shalt  }
0x42: {  	_ =	shalt  }
0x43: {  	_ =	shalt  }
0x44: {  	_ =	shalt  }
0x45: {  	_ =	shalt  }
0x46: {  	_ =	shalt  }
0x47: {  	_ =	shalt  }
0x48: {  	_ =	shalt  }
0x49: {  	_ =	shalt  }
0x4a: {  	_ =	shalt  }
0x4b: {  	_ =	shalt  }
0x4c: {  	_ =	shalt  }
0x4d: {  	_ =	shalt  }
0x4e: {  	_ =	shalt  }
0x4f: {  	_ =	shalt  }
0x50: {  	_ =	shalt  }
0x51: {  	_ =	shalt  }
0x52: {  	_ =	shalt  }
0x53: {  	_ =	shalt  }
0x54: {  	_ =	shalt  }
0x55: {  	_ =	shalt  }
0x56: {  	_ =	shalt  }
0x57: {  	_ =	shalt  }
0x58: {  	_ =	shalt  }
0x59: {  	_ =	shalt  }
0x5a: {  	_ =	shalt  }
0x5b: {  	_ =	shalt  }
0x5c: {  	_ =	shalt  }
0x5d: {  	_ =	shalt  }
0x5e: {  	_ =	shalt  }
0x5f: {  	_ =	shalt  }
0x60: {  	_ =	shalt  }
0x61: {  	_ =	shalt  }
0x62: {  	_ =	shalt  }
0x63: {  	_ =	shalt  }
0x64: {  	_ =	shalt  }
0x65: {  	_ =	shalt  }
0x66: {  	_ =	shalt  }
0x67: {  	_ =	shalt  }
0x68: {  	_ =	shalt  }
0x69: {  	_ =	shalt  }
0x6a: {  	_ =	shalt  }
0x6b: {  	_ =	shalt  }
0x6c: {  	_ =	shalt  }
0x6d: {  	_ =	shalt  }
0x6e: {  	_ =	shalt  }
0x6f: {  	_ =	shalt  }
0x70: {  	_ =	shalt  }
0x71: {  	_ =	shalt  }
0x72: {  	_ =	shalt  }
0x73: {  	_ =	shalt  }
0x74: {  	_ =	shalt  }
0x75: {  	_ =	shalt  }
0x76: {  	_ =	shalt  }
0x77: {  	_ =	shalt  }
0x78: {  	_ =	shalt  }
0x79: {  	_ =	shalt  }
0x7a: {  	_ =	shalt  }
0x7b: {  	_ =	shalt  }
0x7c: {  	_ =	shalt  }
0x7d: {  	_ =	shalt  }
0x7e: {  	_ =	shalt  }
0x7f: {  	_ =	shalt  }
0x80: {  	_ =	shalt  }
0x81: {  	_ =	shalt  }
0x82: {  	_ =	shalt  }
0x83: {  	_ =	shalt  }
0x84: {  	_ =	shalt  }
0x85: {  	_ =	shalt  }
0x86: {  	_ =	shalt  }
0x87: {  	_ =	shalt  }
.Lfunc_end0:
.L_simem_size_0:
called_computation_lowered:
.L_overlay_start_0:
0x88: {  	s2 =	sld [smem:$0x3FD9]  }
0x89: {  	s3 =	sld [smem:$0x3FFE];
	_ =	sdelay $0x1  }
0x8a: {  	s1 =	srdreg.scid  }
0x8b: {  	s0 =	sand.u32 $0x1, s1  }
0x8c: {  	s17 =	sshll.u32 s0, $0xA;
	s2 =	sadd.s32 s3, s2  }
0x8d: {  	s2 =	sadd.s32 s2, s17  }
0x8e: {  	[smem:$0x3FC5] =	sst s2  }
0x8f: {  	_ = 	snop  }
0x90: {  	s2 =	sld [smem:$0x3FC8]  }
0x91: {  	s18 =	sld [smem:$0x3FD0];
	(tm) =	ssettm $0x1  }
0x92: {  	s4 =	sld [smem:$0x3FFB];
	_ =	sdelay $0x3  }
0x93: {  	_ =	strace s4  }
0x94: {  	s4 =	sld [smem:$0x3FFC];
	_ =	sdelay $0x3  }
0x95: {  	_ =	strace s4  }
0x96: {  	s4 =	sld [smem:$0x3FFD];
	_ =	sdelay $0x3  }
0x97: {  	_ =	strace s4  }
0x98: {  	_ =	strace $0x8FFFFFFF  }
0x99: {  	s19 =	sld [smem:$0x3FDB];
	_ =	sdelay $0x1  }
0x9a: {  	s5 =	simm.s32 $_scs_section_size  }
0x9b: {  	s6 =	simm.s32 $_size__tile_overlayer_lowered;
	s7 =	simm.s32 $_tile_overlayer_lowered  }
0x9c: {  	s22 =	simm.s32 $0x1BFF;
	s21 =	sshll.u32 s7, $0x1;
	s4 =	sadd.s32 s5, s19  }
0x9d: {  	s8 =	simm.s32 $0x0;
	s20 =	sshll.u32 s6, $0x1;
	s6 =	sadd.s32 s21, s4  }
0x9e: {  	[timem:s8], [sflag:s22] =	dma.local [hbm:s6], s20  }
0x9f: {  	_ =	swait.ge [sflag:s22], s20  }
0xa0: {  	s5 =	ssub.s32 $0x0, s20;
	[sflag:s22] =	ssyncset.done $0x0  }
0xa1: {  	[sflag:s22] =	ssyncadd.s32 s5;
	_ =	sdelay $0x1  }
0xa2: {  	s23 =	simm.s32 $0x1B8B  }
0xa3: {  	_ =	swait.ge [sflag:s23], $0x1  }
0xa4: {  	[sflag:s23] =	ssyncset.done $0x0  }
0xa5: {  	s25 =	simm.s32 $0x1B8E;
	s24 =	sld [smem:$0x3FFE];
	[sflag:s23] =	ssyncadd.s32 $0xFFFFFFFF  }
0xa6: {  	s26 =	simm.s32 $execute0_lowered;
	[smem:$0x3FD2] =	sst s25  }
0xa7: {  	s6 =	sshll.u32 s26, $0x1;
	_ =	strace $0x80000046;
	[dreg:$0x1] =	wrdreg $0xFFFFFFFF  }
0xa8: {  	s28 =	simm.s32 $_size_execute0_lowered;
	s4 =	sadd.s32 s4, s6;
	[dreg:$0x0] =	wrdreg $0x0  }
0xa9: {  	s6 =	sshll.u32 s28, $0x1;
	[dreg:$0x2] =	wrdreg s4  }
0xaa: {  	[dreg:$0x3] =	wrdreg s6  }
0xab: {  	[dreg:$0x4] =	wrdreg $0xC0  }
0xac: {  	_ =	task [dreg:s8], $0x5FFFF  }
0xad: {  	[dreg:$0x1] =	wrdreg $0xFFFFFFFF  }
0xae: {  	[dreg:$0x0] =	wrdreg $0x60  }
0xaf: {  	[dreg:$0x2] =	wrdreg s2  }
0xb0: {  	[dreg:$0x3] =	wrdreg s24  }
0xb1: {  	[dreg:$0x4] =	wrdreg s18  }
0xb2: {  	[dreg:$0x5] =	wrdreg $0x9  }
0xb3: {  	_ =	task.clear_ibuf [dreg:s8], $0x6FFFF;
	_ =	strace $0x90000046  }
0xb4: {  	s29 =	simm.s32 $0x9;
	_ =	strace $0x80000048  }
0xb5: {  	_ =	swait.ge [sflag:s29], $0x1  }
0xb6: {  	[sflag:s29] =	ssyncadd.s32 $0xFFFFFFFF  }
0xb7: {  	_ =	strace $0x90000048  }
0xb8: {  	_ =	sfence  }
0xb9: {  	s30 =	sld [smem:$0x0];
	_ =	sdelay $0x2  }
0xba: {  	s31 =	sshll.u32 s1, $0xD;
	s1 =	sshrl.u32 s1, $0x2  }
0xbb: {  	s3 =	sand.u32 $0x4000, s31;
	s1 =	sadd.s32 s1, s30  }
0xbc: {  	s0 =	sor.u32 s3, s0;
	s1 =	sshll.u32 s1, $0x11  }
0xbd: {  	s0 =	sor.u32 s1, s0  }
0xbe: {  	s0 =	sadd.s32 $0x8F2B, s0  }
0xbf: {  	[sflag:s0] =	ssyncadd.remote.s32 $0x1  }
0xc0: {  	_ =	sfence.sel $0xFFFF  }
0xc1: {  	[dreg:$0x0] =	wrdreg $0xFFFFFFFF;
	(pc) =	sbr.abs _section_cstart, $3  }
0xc2: {  	[dreg:$0x1] =	wrdreg $0xFFFFFFFF  }
0xc3: {  	_ =	task.clear_ibuf [dreg:s8], $0x2FFFF;
	_ =	strace $0x9FFFFFFF  }
0xc4: {  	(tm) =	ssettm $0x7FFFFFFF  }
0xc5: {  	_ =	shalt  }
tec
execute0_lowered:
.L_overlay_start_1:
0x0: {  	(tag) =	ssettag $0x1  }
0x1: {  	s1 =	rddreg [dreg:$0x0]  }
0x2: {  	s6 =	rddreg [dreg:$0x1]  }
0x3: {  	s3 =	rddreg [dreg:$0x2]  }
0x4: {  	s0 =	rddreg [dreg:$0x3];
	s5 =	srdreg.scid  }
0x5: {  	s2 =	stileid.u32;
	s4 =	simm.s32 $0x0;
	s13 =	simm.s32 $0x1A700  }
0x6: {  	s14 =	simm.s32 $0x1;
	s5 =	sand.u32 $0x1, s5;
	s7 =	sshll.u32 s2, $0x1  }
0x7: {  	s15 =	simm.s32 $0x0;
	[smem:$0x7FF] =	sst s4;
	s7 =	sor.u32 s5, s7  }
0x8: {  	_ =	strace $0x80000047;
	s8 =	ssub.s32 $0x2, s5;
	s9 =	smul.u32 $0xF, s7  }
0x9: {  	s5 =	sadd.s32 $0x40400, s6;
	s10 =	sshrl.u32 s8, $0x1;
	s11 =	smul.u32 $0x30D4, s7  }
0xa: {  	s6 =	sadd.s32 $0x400, s6;
	s12 =	sshll.u32 s7, $0x9;
	s10 =	ssub.s32 s8, s10  }
0xb: {  	s7 =	sadd.s32 $0x20, s9;
	s8 =	sadd.s32 s3, s11;
	s9 =	sadd.s32 s6, s12  }
0xc: {  	v0 =	vlaneseq.u32;
	s10 =	smax.u32 s10, $0x1;
	s11 =	simm.s32 $0x2;
	s12 =	simm.s32 $0x1000  }
.LBB2_1:
0xd: {  	[tilespmem:s4], [sflag:$0x2] =	stream.linear.gather [hbm4b:s1+s4], $0x1000, $0x38;
	[tilespmem:$0x1B700] =	vst v63  }
0xe: {  	_ =	swait.ge [sflag:s11], $0x1000  }
0xf: {  	[sflag:s11] =	ssyncset.done $0x0  }
0x10: {  	s17 =	simm.s32 $0x0;
	s18 =	simm.s32 $0x0;
	[sflag:s11] =	ssyncadd.s32 $0xFFFFF000  }
.LBB2_2:
0x11: {  	v1 =	vld [tilespmem:s17+$0x0];
	_ =	sdelay $0x6  }
0x12: {  	v2 =	vor.u32 s18, v0  }
0x13: {  	[tilespmem:v1+s12+$0x0] =	vst.idx.msk $0xffff, v2  }
0x14: {  	v3 =	vld.idx.msk [tilespmem:v1+s12+$0x0], $0xffff;
	_ =	sdelay $0x4  }
0x15: {  	vm0 =	vne.s32 v3, v2  }
0x16: {  	v4 =	vmpcnt.ones.xlane vm0;
	_ =	sdelay $0x1  }
0x17: {  	(v2sf) =	vpush v4, $0x0;
	_ =	sdelay $0xe  }
0x18: {  	s16 =	spop (v2sf)  }
0x19: {  	p0 =	slt.s32 s16, $0x1  }
0x1a: {  	vm0 =	vgt.s32 @!p0 v2, v3;
	_ =	sdelay $0x4  }
0x1b: {  	s16 =	simm.s32 @!p0 $0x1000  }
0x1c: {  	[tilespmem:v1+s16+$0x0] =	vst.idx.msk @!p0 vm0, v2  }
0x1d: {  	v3 =	vld.idx.msk @!p0 [tilespmem:v1+s16+$0x0], $0xffff;
	_ =	sdelay $0x4  }
0x1e: {  	vm0 =	vgt.s32 @!p0 v2, v3;
	_ =	sdelay $0x5  }
0x1f: {  	[tilespmem:v1+s16+$0x0] =	vst.idx.msk @!p0 vm0, v2  }
0x20: {  	v3 =	vld.idx.msk @!p0 [tilespmem:v1+s16+$0x0], $0xffff;
	_ =	sdelay $0x4  }
0x21: {  	vm0 =	vgt.s32 @!p0 v2, v3;
	_ =	sdelay $0x5  }
0x22: {  	[tilespmem:v1+s16+$0x0] =	vst.idx.msk @!p0 vm0, v2  }
0x23: {  	v3 =	vld.idx.msk @!p0 [tilespmem:v1+s16+$0x0], $0xffff;
	_ =	sdelay $0x4  }
0x24: {  	vm0 =	vgt.s32 @!p0 v2, v3;
	_ =	sdelay $0x5  }
0x25: {  	[tilespmem:v1+s16+$0x0] =	vst.idx.msk @!p0 vm0, v2  }
0x26: {  	v3 =	vld.idx.msk @!p0 [tilespmem:v1+s16+$0x0], $0xffff;
	_ =	sdelay $0x4  }
0x27: {  	vm0 =	vgt.s32 @!p0 v2, v3;
	_ =	sdelay $0x5  }
0x28: {  	[tilespmem:v1+s16+$0x0] =	vst.idx.msk @!p0 vm0, v2  }
0x29: {  	v3 =	vld.idx.msk @!p0 [tilespmem:v1+s16+$0x0], $0xffff;
	_ =	sdelay $0x4  }
0x2a: {  	vm0 =	vgt.s32 @!p0 v2, v3;
	_ =	sdelay $0x5  }
0x2b: {  	[tilespmem:v1+s16+$0x0] =	vst.idx.msk @!p0 vm0, v2  }
0x2c: {  	v3 =	vld.idx.msk @!p0 [tilespmem:v1+s16+$0x0], $0xffff;
	_ =	sdelay $0x4  }
0x2d: {  	vm0 =	vgt.s32 @!p0 v2, v3;
	_ =	sdelay $0x5  }
0x2e: {  	[tilespmem:v1+s16+$0x0] =	vst.idx.msk @!p0 vm0, v2  }
0x2f: {  	v3 =	vld.idx.msk @!p0 [tilespmem:v1+s16+$0x0], $0xffff;
	_ =	sdelay $0x4  }
0x30: {  	vm0 =	vgt.s32 @!p0 v2, v3;
	_ =	sdelay $0x5  }
0x31: {  	[tilespmem:v1+s16+$0x0] =	vst.idx.msk @!p0 vm0, v2  }
0x32: {  	v3 =	vld.idx.msk @!p0 [tilespmem:v1+s16+$0x0], $0xffff;
	_ =	sdelay $0x4  }
0x33: {  	vm0 =	vgt.s32 @!p0 v2, v3;
	_ =	sdelay $0x5  }
0x34: {  	[tilespmem:v1+s16+$0x0] =	vst.idx.msk @!p0 vm0, v2  }
0x35: {  	v3 =	vld.idx.msk @!p0 [tilespmem:v1+s16+$0x0], $0xffff;
	_ =	sdelay $0x4  }
0x36: {  	vm0 =	vgt.s32 @!p0 v2, v3;
	_ =	sdelay $0x5  }
0x37: {  	[tilespmem:v1+s16+$0x0] =	vst.idx.msk @!p0 vm0, v2  }
0x38: {  	v3 =	vld.idx.msk @!p0 [tilespmem:v1+s16+$0x0], $0xffff;
	_ =	sdelay $0x4  }
0x39: {  	vm0 =	vgt.s32 @!p0 v2, v3;
	_ =	sdelay $0x5  }
0x3a: {  	[tilespmem:v1+s16+$0x0] =	vst.idx.msk @!p0 vm0, v2  }
0x3b: {  	v3 =	vld.idx.msk @!p0 [tilespmem:v1+s16+$0x0], $0xffff;
	_ =	sdelay $0x4  }
0x3c: {  	vm0 =	vgt.s32 @!p0 v2, v3;
	_ =	sdelay $0x5  }
0x3d: {  	[tilespmem:v1+s16+$0x0] =	vst.idx.msk @!p0 vm0, v2  }
0x3e: {  	v3 =	vld.idx.msk @!p0 [tilespmem:v1+s16+$0x0], $0xffff;
	_ =	sdelay $0x4  }
0x3f: {  	vm0 =	vgt.s32 @!p0 v2, v3;
	_ =	sdelay $0x5  }
0x40: {  	[tilespmem:v1+s16+$0x0] =	vst.idx.msk @!p0 vm0, v2  }
0x41: {  	v3 =	vld.idx.msk @!p0 [tilespmem:v1+s16+$0x0], $0xffff;
	_ =	sdelay $0x4  }
0x42: {  	vm0 =	vgt.s32 @!p0 v2, v3;
	_ =	sdelay $0x5  }
0x43: {  	[tilespmem:v1+s16+$0x0] =	vst.idx.msk @!p0 vm0, v2  }
0x44: {  	v3 =	vld.idx.msk @!p0 [tilespmem:v1+s16+$0x0], $0xffff;
	_ =	sdelay $0x4  }
0x45: {  	s18 =	sadd.s32 $0x10, s18;
	vm0 =	vgt.s32 @!p0 v2, v3  }
0x46: {  	p1 =	sne.s32 s18, $0x1000  }
.Ltmp0:
0x47: {  	_ = 	snop;
	(pc) =	sbr.rel @p1 .LBB2_2-.Ltmp0, $2  }
0x48: {  	_ =	sdelay $0x2  }
0x49: {  	s17 =	sadd.s32 $0x10, s17;
	[tilespmem:v1+s16+$0x0] =	vst.idx.msk @!p0 vm0, v2;
	s16 =	simm.s32 $0x0  }
0x4a: {  	s17 =	simm.s32 $0x0  }
0x4b: {  	v1 =	vld [tilespmem:s17+$0x0];
	_ =	sdelay $0x5  }
0x4c: {  	v2 =	vld [tilespmem:s17+$0x10];
	_ =	sdelay $0x1  }
0x4d: {  	v1 =	vld.idx.msk [tilespmem:v1+s12+$0x0], $0xffff;
	_ =	sdelay $0x4  }
0x4e: {  	v3 =	vld [tilespmem:s17+$0x20];
	[tilespmem:s17+$0x19700] =	vst v1  }
0x4f: {  	v1 =	vld.idx.msk [tilespmem:v2+s12+$0x0], $0xffff;
	_ =	sdelay $0x4  }
0x50: {  	[tilespmem:s17+$0x19710] =	vst v1;
	v1 =	vld [tilespmem:s17+$0x30];
	_ =	sdelay $0x1  }
0x51: {  	v2 =	vld.idx.msk [tilespmem:v3+s12+$0x0], $0xffff;
	_ =	sdelay $0x3  }
0x52: {  	s19 =	simm.s32 $0x40;
	s18 =	simm.s32 $0x200  }
.LBB2_4:
0x53: {  	p0 =	sne.s32 s18, $0x3F00;
	v3 =	vld [tilespmem:s19+$0x0];
	[tilespmem:s17+$0x19720] =	vst v2  }
0x54: {  	v1 =	vld.idx.msk [tilespmem:v1+s12+$0x0], $0xffff;
	_ =	sdelay $0x5  }
0x55: {  	v2 =	vld [tilespmem:s19+$0x10];
	[tilespmem:s17+$0x19730] =	vst v1;
	s17 =	smov.u32 s19  }
0x56: {  	v1 =	vld.idx.msk [tilespmem:v3+s12+$0x0], $0xffff;
	_ =	sdelay $0x5  }
0x57: {  	[tilespmem:s17+$0x19700] =	vst v1;
	v3 =	vld [tilespmem:s17+$0x20]  }
0x58: {  	v1 =	vld.idx.msk [tilespmem:v2+s12+$0x0], $0xffff;
	_ =	sdelay $0x5  }
0x59: {  	[tilespmem:s17+$0x19710] =	vst v1;
	v1 =	vld [tilespmem:s17+$0x30]  }
0x5a: {  	v2 =	vld.idx.msk [tilespmem:v3+s12+$0x0], $0xffff  }
.Ltmp1:
0x5b: {  	(pc) =	sbr.rel @p0 .LBB2_4-.Ltmp1, $2  }
0x5c: {  	_ =	sdelay $0x2  }
0x5d: {  	s19 =	sshra.s32 s18, $0x2;
	s18 =	sadd.s32 $0x100, s18  }
0x5e: {  	_ =	sdelay $0x1  }
0x5f: {  	v3 =	vld [tilespmem:s19+$0x0]  }
0x60: {  	[tilespmem:s17+$0x19720] =	vst v2  }
0x61: {  	v1 =	vld.idx.msk [tilespmem:v1+s12+$0x0], $0xffff;
	_ =	sdelay $0x3  }
0x62: {  	v2 =	vld [tilespmem:s19+$0x10]  }
0x63: {  	[tilespmem:s17+$0x19730] =	vst v1  }
0x64: {  	v1 =	vld.idx.msk [tilespmem:v3+s12+$0x0], $0xffff;
	_ =	sdelay $0x4  }
0x65: {  	[tilespmem:s19+$0x19700] =	vst v1;
	v1 =	vld [tilespmem:s19+$0x20]  }
0x66: {  	v2 =	vld.idx.msk [tilespmem:v2+s12+$0x0], $0xffff;
	_ =	sdelay $0x4  }
0x67: {  	[tilespmem:s19+$0x19710] =	vst v2;
	v2 =	vld [tilespmem:s19+$0x30];
	_ =	sdelay $0x1  }
0x68: {  	v1 =	vld.idx.msk [tilespmem:v1+s12+$0x0], $0xffff;
	_ =	sdelay $0x4  }
0x69: {  	[tilespmem:s19+$0x19720] =	vst v1  }
0x6a: {  	v1 =	vld.idx.msk [tilespmem:v2+s12+$0x0], $0xffff;
	_ =	sdelay $0x4  }
0x6b: {  	[tilespmem:s19+$0x19730] =	vst v1  }
.LBB2_6:
0x6c: {  	s19 =	sadd.s32 s16, s7  }
0x6d: {  	s17 =	smul.u32 $0x30D4, s19  }
0x6e: {  	s19 =	sshll.u32 s19, $0x9  }
0x6f: {  	s18 =	simm.s32 $0x0;
	s19 =	sand.u32 $0x1FFFFE00, s19;
	s20 =	sadd.s32 s5, s17  }
0x70: {  	[tilespmem:s12], [sflag:$0x1] =	stream.linear.gather [hbm4b:s20+s18], $0x186A0, $0x38;
	[tilespmem:$0x1B700] =	vst v63  }
0x71: {  	s19 =	sadd.s32 s6, s19  }
0x72: {  	[tilespmem:s13], [sflag:$0x2] =	stream.linear.gather [hbm4b:s19+s18], $0x1000, $0x38;
	[tilespmem:$0x1B700] =	vst v63  }
0x73: {  	_ =	swait.ge [sflag:s11], $0x1000  }
0x74: {  	[sflag:s11] =	ssyncset.done $0x0  }
0x75: {  	[sflag:s11] =	ssyncadd.s32 $0xFFFFF000  }
0x76: {  	_ =	swait.ge [sflag:s14], $0x186A0  }
0x77: {  	[sflag:s14] =	ssyncset.done $0x0  }
0x78: {  	[sflag:s14] =	ssyncadd.s32 $0xFFFE7960  }
.LBB2_7:
0x79: {  	s19 =	sshra.s32 s18, $0x2  }
0x7a: {  	v1 =	vld [tilespmem:s19+$0x19700];
	_ =	sdelay $0x4  }
0x7b: {  	v2 =	vld [tilespmem:s19+$0x0];
	_ =	sdelay $0x2  }
0x7c: {  	v1 =	vld.idx.msk [tilespmem:v1+s13+$0x0], $0xffff;
	_ =	sdelay $0x4  }
0x7d: {  	[tilespmem:v2+s12+$0x0] =	vst.idx.msk $0xffff, v1  }
0x7e: {  	v1 =	vld [tilespmem:s19+$0x19710];
	_ =	sdelay $0x4  }
0x7f: {  	v2 =	vld [tilespmem:s19+$0x10];
	_ =	sdelay $0x2  }
0x80: {  	v1 =	vld.idx.msk [tilespmem:v1+s13+$0x0], $0xffff;
	_ =	sdelay $0x4  }
0x81: {  	[tilespmem:v2+s12+$0x0] =	vst.idx.msk $0xffff, v1  }
0x82: {  	v1 =	vld [tilespmem:s19+$0x19720];
	_ =	sdelay $0x4  }
0x83: {  	v2 =	vld [tilespmem:s19+$0x20];
	_ =	sdelay $0x2  }
0x84: {  	v1 =	vld.idx.msk [tilespmem:v1+s13+$0x0], $0xffff;
	_ =	sdelay $0x4  }
0x85: {  	[tilespmem:v2+s12+$0x0] =	vst.idx.msk $0xffff, v1  }
0x86: {  	v1 =	vld [tilespmem:s19+$0x19730];
	_ =	sdelay $0x4  }
0x87: {  	v2 =	vld [tilespmem:s19+$0x30];
	_ =	sdelay $0x2  }
0x88: {  	p0 =	sne.s32 s18, $0x3F00;
	v1 =	vld.idx.msk [tilespmem:v1+s13+$0x0], $0xffff  }
.Ltmp2:
0x89: {  	_ = 	snop;
	(pc) =	sbr.rel @p0 .LBB2_7-.Ltmp2, $2  }
0x8a: {  	_ =	sdelay $0x2  }
0x8b: {  	s18 =	sadd.s32 $0x100, s18;
	[tilespmem:v2+s12+$0x0] =	vst.idx.msk $0xffff, v1  }
0x8c: {  	s16 =	sadd.s32 $0x1, s16  }
0x8d: {  	p0 =	sne.s32 s16, $0xF  }
.Ltmp3:
0x8e: {  	s17 =	sadd.s32 s3, s17;
	(pc) =	sbr.rel @p0 .LBB2_6-.Ltmp3, $4  }
0x8f: {  	[hbm4b:s17+s4] =	stream.linear.scatter [tilespmem:s12], [sflag:$0x2], $0x186A0, $0x38;
	[tilespmem:$0x1B700] =	vst v63  }
0x90: {  	_ =	swait.ge [sflag:s11], $0x186A0  }
0x91: {  	[sflag:s11] =	ssyncset.done $0x0  }
0x92: {  	[sflag:s11] =	ssyncadd.s32 $0xFFFE7960  }
0x93: {  	s16 =	simm.s32 $0x0  }
0x94: {  	[tilespmem:s12], [sflag:$0x1] =	stream.linear.gather [hbm4b:s8+s16], $0x186A0, $0x38;
	[tilespmem:$0x1B700] =	vst v63  }
0x95: {  	_ = 	snop  }
0x96: {  	[tilespmem:s13], [sflag:$0x2] =	stream.linear.gather [hbm4b:s9+s16], $0x1000, $0x38;
	[tilespmem:$0x1B700] =	vst v63  }
0x97: {  	_ =	swait.ge [sflag:s11], $0x1000  }
0x98: {  	[sflag:s11] =	ssyncset.done $0x0  }
0x99: {  	[sflag:s11] =	ssyncadd.s32 $0xFFFFF000  }
0x9a: {  	_ =	swait.ge [sflag:s14], $0x186A0  }
0x9b: {  	[sflag:s14] =	ssyncset.done $0x0  }
0x9c: {  	[sflag:s14] =	ssyncadd.s32 $0xFFFE7960  }
.LBB2_10:
0x9d: {  	s17 =	sshra.s32 s16, $0x2  }
0x9e: {  	v1 =	vld [tilespmem:s17+$0x19700];
	_ =	sdelay $0x4  }
0x9f: {  	v2 =	vld [tilespmem:s17+$0x0];
	_ =	sdelay $0x2  }
0xa0: {  	v1 =	vld.idx.msk [tilespmem:v1+s13+$0x0], $0xffff;
	_ =	sdelay $0x4  }
0xa1: {  	[tilespmem:v2+s12+$0x0] =	vst.idx.msk $0xffff, v1  }
0xa2: {  	v1 =	vld [tilespmem:s17+$0x19710];
	_ =	sdelay $0x4  }
0xa3: {  	v2 =	vld [tilespmem:s17+$0x10];
	_ =	sdelay $0x2  }
0xa4: {  	v1 =	vld.idx.msk [tilespmem:v1+s13+$0x0], $0xffff;
	_ =	sdelay $0x4  }
0xa5: {  	[tilespmem:v2+s12+$0x0] =	vst.idx.msk $0xffff, v1  }
0xa6: {  	v1 =	vld [tilespmem:s17+$0x19720];
	_ =	sdelay $0x4  }
0xa7: {  	v2 =	vld [tilespmem:s17+$0x20];
	_ =	sdelay $0x2  }
0xa8: {  	v1 =	vld.idx.msk [tilespmem:v1+s13+$0x0], $0xffff;
	_ =	sdelay $0x4  }
0xa9: {  	[tilespmem:v2+s12+$0x0] =	vst.idx.msk $0xffff, v1  }
0xaa: {  	v1 =	vld [tilespmem:s17+$0x19730];
	_ =	sdelay $0x4  }
0xab: {  	v2 =	vld [tilespmem:s17+$0x30];
	_ =	sdelay $0x2  }
0xac: {  	p0 =	sne.s32 s16, $0x3F00;
	v1 =	vld.idx.msk [tilespmem:v1+s13+$0x0], $0xffff  }
.Ltmp4:
0xad: {  	_ = 	snop;
	(pc) =	sbr.rel @p0 .LBB2_10-.Ltmp4, $2  }
0xae: {  	_ =	sdelay $0x2  }
0xaf: {  	s16 =	sadd.s32 $0x100, s16;
	[tilespmem:v2+s12+$0x0] =	vst.idx.msk $0xffff, v1  }
0xb0: {  	s15 =	sadd.s32 $0x1, s15  }
0xb1: {  	p0 =	sne.s32 s15, s10  }
.Ltmp5:
0xb2: {  	_ = 	snop;
	(pc) =	sbr.rel @p0 .LBB2_1-.Ltmp5, $4  }
0xb3: {  	[hbm4b:s8+s4] =	stream.linear.scatter [tilespmem:s12], [sflag:$0x2], $0x186A0, $0x38;
	[tilespmem:$0x1B700] =	vst v63  }
0xb4: {  	_ =	swait.ge [sflag:s11], $0x186A0  }
0xb5: {  	[sflag:s11] =	ssyncset.done $0x0  }
0xb6: {  	[sflag:s11] =	ssyncadd.s32 $0xFFFE7960  }
0xb7: {  	_ =	sfence.sel $0x180000  }
0xb8: {  	[bflag:$0x0] =	sbarrier.arrive $0xFFFF  }
0xb9: {  	p0 =	sne.s32 s2, $0x0;
	_ =	strace $0x90000047  }
0xba: {  	s0 =	sadd.s32 @!p0 $0x100000, s0;
	[bflag:$0x2] =	sbarrier.arrive $0xFFFF  }
0xbb: {  	[sflag:s0] =	ssyncadd.tile.s32 @!p0 $0x1;
	_ =	shalt  }
.Lfunc_end2:
_tile_overlayer_lowered:
.L_overlay_start_2:
0xbc: {  	(tag) =	ssettag $0x2  }
0xbd: {  	s0 =	rddreg [dreg:$0x0];
	s2 =	stileid.u32  }
0xbe: {  	s1 =	rddreg [dreg:$0x1];
	p0 =	sne.s32 s2, $0x0  }
0xbf: {  	s3 =	rddreg [dreg:$0x2];
	[bflag:$0x3] =	sbarrier.arrive $0xFFFF;
	s2 =	simm.s32 @!p0 $0x1C02  }
0xc0: {  	[timem:s3], [sflag:s2] =	dma.local @!p0 [hbm:s0], s1  }
0xc1: {  	s0 =	simm.s32 @!p0 $0x2  }
0xc2: {  	_ =	swait.ge @!p0 [sflag:s0], s1  }
0xc3: {  	s1 =	ssub.s32 @!p0 $0x0, s1;
	[sflag:s0] =	ssyncset.done @!p0 $0x0  }
0xc4: {  	[sflag:s0] =	ssyncadd.s32 @!p0 s1  }
0xc5: {  	[bflag:$0x3] =	sbarrier.arrive $0xFFFF  }
0xc6: {  	_ =	shalt  }

</sc_bundles>
